<compile_context>
chip_gen: v7x
topology: tpu7x:2x2x1
jax: 0.10.2.dev20260603
libtpu: 0.0.44.dev20260713+nightly
codegen_flags: <defaults>
</compile_context>

<pallas_src>
import functools

import jax
import jax.numpy as jnp
from jax import lax
from jax.experimental import pallas as pl
from jax.experimental.pallas import tpu as pltpu
from jax.experimental.pallas import tpu_sc as plsc

N_NODES = 10000
D_FEAT = 128
HIDDEN = 128
N_LATENT = 128
N_EDGES = 320000
N_GRAPHS = 64

NUM_CORES = 2
NUM_SUBCORES = 16
NUM_WORKERS = NUM_CORES * NUM_SUBCORES

CHUNK = 80
EDGES_PER_WORKER = N_EDGES // NUM_WORKERS
CHUNKS_PER_WORKER = EDGES_PER_WORKER // CHUNK
ROW_CHUNK = 80
N_ROW_CHUNKS = N_NODES // ROW_CHUNK
ROW_CHUNKS_PER_SUBCORE = -(-N_ROW_CHUNKS // NUM_SUBCORES)

_sc_mesh = plsc.VectorSubcoreMesh(core_axis_name="c", subcore_axis_name="s")


@functools.partial(
    pl.kernel,
    mesh=_sc_mesh,
    out_type=jax.ShapeDtypeStruct((NUM_CORES * N_NODES, D_FEAT), jnp.float32),
    scratch_types=[
        pltpu.VMEM_SHARED((N_NODES, D_FEAT), jnp.float32),
        pltpu.VMEM((CHUNK,), jnp.int32),
        pltpu.VMEM((CHUNK,), jnp.int32),
        pltpu.VMEM((CHUNK, D_FEAT), jnp.float32),
        pltpu.SemaphoreType.DMA,
    ],
)
def _sc_aggregate(x_hbm, src_hbm, dst_hbm, zeros_hbm, out_hbm,
                  acc_sh, src_v, dst_v, rows_v, sem):
    c = lax.axis_index("c")
    s = lax.axis_index("s")

    for k in range(ROW_CHUNKS_PER_SUBCORE):
        ch = s + k * NUM_SUBCORES

        @pl.when(ch < N_ROW_CHUNKS)
        def _():
            pltpu.sync_copy(zeros_hbm, acc_sh.at[pl.ds(ch * ROW_CHUNK, ROW_CHUNK)])

    plsc.subcore_barrier()

    w = s * NUM_CORES + c
    base = w * EDGES_PER_WORKER

    def body(i, carry):
        off = base + i * CHUNK
        pltpu.sync_copy(src_hbm.at[pl.ds(off, CHUNK)], src_v)
        pltpu.sync_copy(dst_hbm.at[pl.ds(off, CHUNK)], dst_v)
        pltpu.async_copy(x_hbm.at[src_v], rows_v, sem).wait()
        pltpu.sync_copy(rows_v, acc_sh.at[dst_v], add=True)
        return carry

    lax.fori_loop(0, CHUNKS_PER_WORKER, body, 0)

    plsc.subcore_barrier()

    for k in range(ROW_CHUNKS_PER_SUBCORE):
        ch = s + k * NUM_SUBCORES

        @pl.when(ch < N_ROW_CHUNKS)
        def _():
            r0 = ch * ROW_CHUNK
            pltpu.sync_copy(acc_sh.at[pl.ds(r0, ROW_CHUNK)],
                            out_hbm.at[pl.ds(c * N_NODES + r0, ROW_CHUNK)])


_BLK = 2000
_NBLK = N_NODES // _BLK


def _tc_body(parts_ref, x_ref, batch_ref, wrel_ref, brel_ref, wroot_ref,
             fc1w_ref, fc1b_ref, out_ref, sums_ref, counts_ref):
    i = pl.program_id(0)

    @pl.when(i == 0)
    def _():
        sums_ref[...] = jnp.zeros_like(sums_ref)
        counts_ref[...] = jnp.zeros_like(counts_ref)

    agg = parts_ref[0] + parts_ref[1]
    xb = x_ref[...]
    dn_t = (((1,), (1,)), ((), ()))
    h = jnp.tanh(
        lax.dot_general(agg, wrel_ref[...], dn_t,
                        precision=lax.Precision.HIGHEST,
                        preferred_element_type=jnp.float32)
        + lax.dot_general(xb, wroot_ref[...], dn_t,
                          precision=lax.Precision.HIGHEST,
                          preferred_element_type=jnp.float32)
        + brel_ref[...]
    )

    b = batch_ref[0]
    ids = lax.broadcasted_iota(jnp.int32, (N_GRAPHS, _BLK), 0)
    onehot = (ids == b).astype(jnp.float32)
    dn = (((1,), (0,)), ((), ()))
    sums_ref[...] += lax.dot_general(onehot, h, dn,
                                     precision=lax.Precision.HIGHEST,
                                     preferred_element_type=jnp.float32)
    counts_ref[...] += lax.dot_general(onehot, jnp.ones_like(h), dn,
                                       precision=lax.Precision.HIGHEST,
                                       preferred_element_type=jnp.float32)

    @pl.when(i == pl.num_programs(0) - 1)
    def _():
        pooled = sums_ref[...] / jnp.maximum(counts_ref[...], 1.0)
        out_ref[...] = jnp.tanh(
            lax.dot_general(pooled, fc1w_ref[...], dn_t,
                            precision=lax.Precision.HIGHEST,
                            preferred_element_type=jnp.float32)
            + fc1b_ref[...]
        )


_tc_tail = pl.pallas_call(
    _tc_body,
    grid=(_NBLK,),
    in_specs=[
        pl.BlockSpec((NUM_CORES, _BLK, D_FEAT), lambda i: (0, i, 0)),
        pl.BlockSpec((_BLK, D_FEAT), lambda i: (i, 0)),
        pl.BlockSpec((1, 1, _BLK), lambda i: (i, 0, 0)),
        pl.BlockSpec((HIDDEN, D_FEAT), lambda i: (0, 0)),
        pl.BlockSpec((1, HIDDEN), lambda i: (0, 0)),
        pl.BlockSpec((HIDDEN, D_FEAT), lambda i: (0, 0)),
        pl.BlockSpec((N_LATENT, HIDDEN), lambda i: (0, 0)),
        pl.BlockSpec((1, N_LATENT), lambda i: (0, 0)),
    ],
    out_specs=pl.BlockSpec((N_GRAPHS, N_LATENT), lambda i: (0, 0)),
    out_shape=jax.ShapeDtypeStruct((N_GRAPHS, N_LATENT), jnp.float32),
    scratch_shapes=[
        pltpu.VMEM((N_GRAPHS, HIDDEN), jnp.float32),
        pltpu.VMEM((N_GRAPHS, HIDDEN), jnp.float32),
    ],
)


def kernel(x, edge_index, batch, W_rel, b_rel, W_root, fc1_W, fc1_b):
    src = edge_index[0].astype(jnp.int32)
    dst = edge_index[1].astype(jnp.int32)
    zeros = jnp.zeros((ROW_CHUNK, D_FEAT), jnp.float32)

    parts = _sc_aggregate(x, src, dst, zeros)
    parts = parts.reshape(NUM_CORES, N_NODES, D_FEAT)

    batch3 = batch.astype(jnp.int32).reshape(_NBLK, 1, _BLK)
    out = _tc_tail(parts, x, batch3, W_rel, b_rel.reshape(1, HIDDEN),
                   W_root, fc1_W, fc1_b.reshape(1, N_LATENT))
    return out

# --- scband reference (transcript-rebuilt; emitter-appended) ---
"""Pipeline reference for scband-mouse-graph-conv-net-5849745457188 (READ-ONLY COPY).

The authoritative reference and input builder live on the scoring server;
editing this copy changes nothing except your own understanding.
"""

import jax, jax.numpy as jnp
import numpy as np

N_NODES = 10000
D_FEAT = 128
HIDDEN = 128
N_LATENT = 128
N_EDGES = 320000
N_GRAPHS = 64


def setup_inputs(seed: int = 0) -> dict:
    key = jax.random.key(seed)
    k1, k2, k3, k4, k5, k6, k7, k8, k9 = jax.random.split(key, 9)
    x = jax.random.normal(k1, (N_NODES, D_FEAT), dtype=jnp.float32)
    edge_index = jax.random.randint(k2, (2, N_EDGES), 0, N_NODES, dtype=jnp.int64)
    batch = jnp.sort(jax.random.randint(k3, (N_NODES,), 0, N_GRAPHS, dtype=jnp.int64))
    # GraphConv params (PyG style: lin_rel with bias, lin_root without bias)
    s = 1.0 / np.sqrt(D_FEAT)
    W_rel = jax.random.uniform(k4, (HIDDEN, D_FEAT), minval=-s, maxval=s, dtype=jnp.float32)
    b_rel = jax.random.uniform(k5, (HIDDEN,), minval=-s, maxval=s, dtype=jnp.float32)
    W_root = jax.random.uniform(k6, (HIDDEN, D_FEAT), minval=-s, maxval=s, dtype=jnp.float32)
    s2 = 1.0 / np.sqrt(HIDDEN)
    fc1_W = jax.random.uniform(k7, (N_LATENT, HIDDEN), minval=-s2, maxval=s2, dtype=jnp.float32)
    fc1_b = jax.random.uniform(k8, (N_LATENT,), minval=-s2, maxval=s2, dtype=jnp.float32)
    return {"x": x, "edge_index": edge_index, "batch": batch,
            "W_rel": W_rel, "b_rel": b_rel, "W_root": W_root,
            "fc1_W": fc1_W, "fc1_b": fc1_b}


def reference(x, edge_index, batch, W_rel, b_rel, W_root, fc1_W, fc1_b):
    src = edge_index[0]
    dst = edge_index[1]
    # GraphConv: out_i = W_rel @ sum_{j in N(i)} x_j + b_rel + W_root @ x_i
    msgs = jnp.take(x, src, axis=0)
    agg = jax.ops.segment_sum(msgs, dst, num_segments=N_NODES)
    h = agg @ W_rel.T + b_rel + x @ W_root.T
    # dropout p=0.0 -> identity; activation Tanh
    h = jnp.tanh(h)
    # global_mean_pool over batch assignment
    sums = jax.ops.segment_sum(h, batch, num_segments=N_GRAPHS)
    counts = jax.ops.segment_sum(jnp.ones((N_NODES,), dtype=jnp.float32), batch, num_segments=N_GRAPHS)
    pooled = sums / jnp.maximum(counts, 1.0)[:, None]
    # fc1 + dropout(identity) + activation
    out = pooled @ fc1_W.T + fc1_b
    out = jnp.tanh(out)
    return out

if __name__ == "__main__":
    import jax
    _d = setup_inputs()
    print(jax.jit(kernel)(*tuple(_d.values())))

</pallas_src>

<mosaic_0001>
#map = affine_map<(d0, d1) -> (0, 0)>
#map1 = affine_map<(d0, d1) -> (0)>
module attributes {stable_mosaic.version = 14 : i64} {
  func.func @_sc_aggregate(%arg0: i32, %arg1: i32, %arg2: memref<10000x128xf32, #tpu.memory_space<hbm>>, %arg3: memref<320000xi32, #tpu.memory_space<hbm>>, %arg4: memref<320000xi32, #tpu.memory_space<hbm>>, %arg5: memref<80x128xf32, #tpu.memory_space<hbm>>, %arg6: memref<20000x128xf32, #tpu.memory_space<hbm>>, %arg7: memref<10000x128xf32, #tpu.memory_space<vmem_shared>>, %arg8: memref<80xi32, #tpu.memory_space<vmem>>, %arg9: memref<80xi32, #tpu.memory_space<vmem>>, %arg10: memref<80x128xf32, #tpu.memory_space<vmem>>, %arg11: memref<!tpu.dma_semaphore, #tpu.memory_space<semaphore_mem>>) attributes {dimension_semantics = [#tpu.dimension_semantics<core_parallel>, #tpu.dimension_semantics<subcore_parallel>], iteration_bounds = array<i64: 2, 16>, scalar_prefetch = 0 : i64, scratch_operands = 5 : i64, tpu.core_type = #tpu.core_type<sc_vector_subcore>, window_params = [{transform_indices = #map}, {transform_indices = #map1}, {transform_indices = #map1}, {transform_indices = #map}, {transform_indices = #map}]} {
    %add3A = arith.constant 0 : i32
    %add3A_0 = arith.addi %arg1, %add3A : i32
    %lt3A = arith.constant 125 : i32
    %lt3A_1 = arith.cmpi slt, %add3A_0, %lt3A : i32
    %convert_element_type3A = arith.extui %lt3A_1 : i1 to i32
    %cond3A = arith.constant 0 : i32
    %cond3A_2 = arith.cmpi ne, %convert_element_type3A, %cond3A : i32
    scf.if %cond3A_2 {
      %mul3A_118 = arith.constant 80 : i32
      %mul3A_119 = arith.muli %add3A_0, %mul3A_118 : i32
      "tpu.region"() ({
        %run_scoped3A = tpu.sem_alloc : memref<!tpu.dma_semaphore, #tpu.memory_space<semaphore_mem>>
        %dma_start3A = arith.constant 0 : i32
        %dma_start3A_120 = tpu.memref_slice %arg7[%mul3A_119, %dma_start3A] : memref<10000x128xf32, #tpu.memory_space<vmem_shared>> -> memref<80x128xf32, #tpu.memory_space<vmem_shared>>
        tpu.enqueue_dma source(%arg5 : memref<80x128xf32, #tpu.memory_space<hbm>>) target(%dma_start3A_120 : memref<80x128xf32, #tpu.memory_space<vmem_shared>>) target_semaphore(%run_scoped3A : memref<!tpu.dma_semaphore, #tpu.memory_space<semaphore_mem>>)
        %dma_wait3A = arith.constant 0 : i32
        %dma_wait3A_121 = tpu.memref_slice %arg7[%mul3A_119, %dma_wait3A] : memref<10000x128xf32, #tpu.memory_space<vmem_shared>> -> memref<80x128xf32, #tpu.memory_space<vmem_shared>>
        tpu.wait_dma2 semaphore(%run_scoped3A : memref<!tpu.dma_semaphore, #tpu.memory_space<semaphore_mem>>) src(%arg5 : memref<80x128xf32, #tpu.memory_space<hbm>>) dst(%dma_wait3A_121 : memref<80x128xf32, #tpu.memory_space<vmem_shared>>)
        tpu.yield
      }) : () -> ()
    } else {
    }
    %add3A_3 = arith.constant 16 : i32
    %add3A_4 = arith.addi %arg1, %add3A_3 : i32
    %lt3A_5 = arith.constant 125 : i32
    %lt3A_6 = arith.cmpi slt, %add3A_4, %lt3A_5 : i32
    %convert_element_type3A_7 = arith.extui %lt3A_6 : i1 to i32
    %cond3A_8 = arith.constant 0 : i32
    %cond3A_9 = arith.cmpi ne, %convert_element_type3A_7, %cond3A_8 : i32
    scf.if %cond3A_9 {
      %mul3A_118 = arith.constant 80 : i32
      %mul3A_119 = arith.muli %add3A_4, %mul3A_118 : i32
      "tpu.region"() ({
        %run_scoped3A = tpu.sem_alloc : memref<!tpu.dma_semaphore, #tpu.memory_space<semaphore_mem>>
        %dma_start3A = arith.constant 0 : i32
        %dma_start3A_120 = tpu.memref_slice %arg7[%mul3A_119, %dma_start3A] : memref<10000x128xf32, #tpu.memory_space<vmem_shared>> -> memref<80x128xf32, #tpu.memory_space<vmem_shared>>
        tpu.enqueue_dma source(%arg5 : memref<80x128xf32, #tpu.memory_space<hbm>>) target(%dma_start3A_120 : memref<80x128xf32, #tpu.memory_space<vmem_shared>>) target_semaphore(%run_scoped3A : memref<!tpu.dma_semaphore, #tpu.memory_space<semaphore_mem>>)
        %dma_wait3A = arith.constant 0 : i32
        %dma_wait3A_121 = tpu.memref_slice %arg7[%mul3A_119, %dma_wait3A] : memref<10000x128xf32, #tpu.memory_space<vmem_shared>> -> memref<80x128xf32, #tpu.memory_space<vmem_shared>>
        tpu.wait_dma2 semaphore(%run_scoped3A : memref<!tpu.dma_semaphore, #tpu.memory_space<semaphore_mem>>) src(%arg5 : memref<80x128xf32, #tpu.memory_space<hbm>>) dst(%dma_wait3A_121 : memref<80x128xf32, #tpu.memory_space<vmem_shared>>)
        tpu.yield
      }) : () -> ()
    } else {
    }
    %add3A_10 = arith.constant 32 : i32
    %add3A_11 = arith.addi %arg1, %add3A_10 : i32
    %lt3A_12 = arith.constant 125 : i32
    %lt3A_13 = arith.cmpi slt, %add3A_11, %lt3A_12 : i32
    %convert_element_type3A_14 = arith.extui %lt3A_13 : i1 to i32
    %cond3A_15 = arith.constant 0 : i32
    %cond3A_16 = arith.cmpi ne, %convert_element_type3A_14, %cond3A_15 : i32
    scf.if %cond3A_16 {
      %mul3A_118 = arith.constant 80 : i32
      %mul3A_119 = arith.muli %add3A_11, %mul3A_118 : i32
      "tpu.region"() ({
        %run_scoped3A = tpu.sem_alloc : memref<!tpu.dma_semaphore, #tpu.memory_space<semaphore_mem>>
        %dma_start3A = arith.constant 0 : i32
        %dma_start3A_120 = tpu.memref_slice %arg7[%mul3A_119, %dma_start3A] : memref<10000x128xf32, #tpu.memory_space<vmem_shared>> -> memref<80x128xf32, #tpu.memory_space<vmem_shared>>
        tpu.enqueue_dma source(%arg5 : memref<80x128xf32, #tpu.memory_space<hbm>>) target(%dma_start3A_120 : memref<80x128xf32, #tpu.memory_space<vmem_shared>>) target_semaphore(%run_scoped3A : memref<!tpu.dma_semaphore, #tpu.memory_space<semaphore_mem>>)
        %dma_wait3A = arith.constant 0 : i32
        %dma_wait3A_121 = tpu.memref_slice %arg7[%mul3A_119, %dma_wait3A] : memref<10000x128xf32, #tpu.memory_space<vmem_shared>> -> memref<80x128xf32, #tpu.memory_space<vmem_shared>>
        tpu.wait_dma2 semaphore(%run_scoped3A : memref<!tpu.dma_semaphore, #tpu.memory_space<semaphore_mem>>) src(%arg5 : memref<80x128xf32, #tpu.memory_space<hbm>>) dst(%dma_wait3A_121 : memref<80x128xf32, #tpu.memory_space<vmem_shared>>)
        tpu.yield
      }) : () -> ()
    } else {
    }
    %add3A_17 = arith.constant 48 : i32
    %add3A_18 = arith.addi %arg1, %add3A_17 : i32
    %lt3A_19 = arith.constant 125 : i32
    %lt3A_20 = arith.cmpi slt, %add3A_18, %lt3A_19 : i32
    %convert_element_type3A_21 = arith.extui %lt3A_20 : i1 to i32
    %cond3A_22 = arith.constant 0 : i32
    %cond3A_23 = arith.cmpi ne, %convert_element_type3A_21, %cond3A_22 : i32
    scf.if %cond3A_23 {
      %mul3A_118 = arith.constant 80 : i32
      %mul3A_119 = arith.muli %add3A_18, %mul3A_118 : i32
      "tpu.region"() ({
        %run_scoped3A = tpu.sem_alloc : memref<!tpu.dma_semaphore, #tpu.memory_space<semaphore_mem>>
        %dma_start3A = arith.constant 0 : i32
        %dma_start3A_120 = tpu.memref_slice %arg7[%mul3A_119, %dma_start3A] : memref<10000x128xf32, #tpu.memory_space<vmem_shared>> -> memref<80x128xf32, #tpu.memory_space<vmem_shared>>
        tpu.enqueue_dma source(%arg5 : memref<80x128xf32, #tpu.memory_space<hbm>>) target(%dma_start3A_120 : memref<80x128xf32, #tpu.memory_space<vmem_shared>>) target_semaphore(%run_scoped3A : memref<!tpu.dma_semaphore, #tpu.memory_space<semaphore_mem>>)
        %dma_wait3A = arith.constant 0 : i32
        %dma_wait3A_121 = tpu.memref_slice %arg7[%mul3A_119, %dma_wait3A] : memref<10000x128xf32, #tpu.memory_space<vmem_shared>> -> memref<80x128xf32, #tpu.memory_space<vmem_shared>>
        tpu.wait_dma2 semaphore(%run_scoped3A : memref<!tpu.dma_semaphore, #tpu.memory_space<semaphore_mem>>) src(%arg5 : memref<80x128xf32, #tpu.memory_space<hbm>>) dst(%dma_wait3A_121 : memref<80x128xf32, #tpu.memory_space<vmem_shared>>)
        tpu.yield
      }) : () -> ()
    } else {
    }
    %add3A_24 = arith.constant 64 : i32
    %add3A_25 = arith.addi %arg1, %add3A_24 : i32
    %lt3A_26 = arith.constant 125 : i32
    %lt3A_27 = arith.cmpi slt, %add3A_25, %lt3A_26 : i32
    %convert_element_type3A_28 = arith.extui %lt3A_27 : i1 to i32
    %cond3A_29 = arith.constant 0 : i32
    %cond3A_30 = arith.cmpi ne, %convert_element_type3A_28, %cond3A_29 : i32
    scf.if %cond3A_30 {
      %mul3A_118 = arith.constant 80 : i32
      %mul3A_119 = arith.muli %add3A_25, %mul3A_118 : i32
      "tpu.region"() ({
        %run_scoped3A = tpu.sem_alloc : memref<!tpu.dma_semaphore, #tpu.memory_space<semaphore_mem>>
        %dma_start3A = arith.constant 0 : i32
        %dma_start3A_120 = tpu.memref_slice %arg7[%mul3A_119, %dma_start3A] : memref<10000x128xf32, #tpu.memory_space<vmem_shared>> -> memref<80x128xf32, #tpu.memory_space<vmem_shared>>
        tpu.enqueue_dma source(%arg5 : memref<80x128xf32, #tpu.memory_space<hbm>>) target(%dma_start3A_120 : memref<80x128xf32, #tpu.memory_space<vmem_shared>>) target_semaphore(%run_scoped3A : memref<!tpu.dma_semaphore, #tpu.memory_space<semaphore_mem>>)
        %dma_wait3A = arith.constant 0 : i32
        %dma_wait3A_121 = tpu.memref_slice %arg7[%mul3A_119, %dma_wait3A] : memref<10000x128xf32, #tpu.memory_space<vmem_shared>> -> memref<80x128xf32, #tpu.memory_space<vmem_shared>>
        tpu.wait_dma2 semaphore(%run_scoped3A : memref<!tpu.dma_semaphore, #tpu.memory_space<semaphore_mem>>) src(%arg5 : memref<80x128xf32, #tpu.memory_space<hbm>>) dst(%dma_wait3A_121 : memref<80x128xf32, #tpu.memory_space<vmem_shared>>)
        tpu.yield
      }) : () -> ()
    } else {
    }
    %add3A_31 = arith.constant 80 : i32
    %add3A_32 = arith.addi %arg1, %add3A_31 : i32
    %lt3A_33 = arith.constant 125 : i32
    %lt3A_34 = arith.cmpi slt, %add3A_32, %lt3A_33 : i32
    %convert_element_type3A_35 = arith.extui %lt3A_34 : i1 to i32
    %cond3A_36 = arith.constant 0 : i32
    %cond3A_37 = arith.cmpi ne, %convert_element_type3A_35, %cond3A_36 : i32
    scf.if %cond3A_37 {
      %mul3A_118 = arith.constant 80 : i32
      %mul3A_119 = arith.muli %add3A_32, %mul3A_118 : i32
      "tpu.region"() ({
        %run_scoped3A = tpu.sem_alloc : memref<!tpu.dma_semaphore, #tpu.memory_space<semaphore_mem>>
        %dma_start3A = arith.constant 0 : i32
        %dma_start3A_120 = tpu.memref_slice %arg7[%mul3A_119, %dma_start3A] : memref<10000x128xf32, #tpu.memory_space<vmem_shared>> -> memref<80x128xf32, #tpu.memory_space<vmem_shared>>
        tpu.enqueue_dma source(%arg5 : memref<80x128xf32, #tpu.memory_space<hbm>>) target(%dma_start3A_120 : memref<80x128xf32, #tpu.memory_space<vmem_shared>>) target_semaphore(%run_scoped3A : memref<!tpu.dma_semaphore, #tpu.memory_space<semaphore_mem>>)
        %dma_wait3A = arith.constant 0 : i32
        %dma_wait3A_121 = tpu.memref_slice %arg7[%mul3A_119, %dma_wait3A] : memref<10000x128xf32, #tpu.memory_space<vmem_shared>> -> memref<80x128xf32, #tpu.memory_space<vmem_shared>>
        tpu.wait_dma2 semaphore(%run_scoped3A : memref<!tpu.dma_semaphore, #tpu.memory_space<semaphore_mem>>) src(%arg5 : memref<80x128xf32, #tpu.memory_space<hbm>>) dst(%dma_wait3A_121 : memref<80x128xf32, #tpu.memory_space<vmem_shared>>)
        tpu.yield
      }) : () -> ()
    } else {
    }
    %add3A_38 = arith.constant 96 : i32
    %add3A_39 = arith.addi %arg1, %add3A_38 : i32
    %lt3A_40 = arith.constant 125 : i32
    %lt3A_41 = arith.cmpi slt, %add3A_39, %lt3A_40 : i32
    %convert_element_type3A_42 = arith.extui %lt3A_41 : i1 to i32
    %cond3A_43 = arith.constant 0 : i32
    %cond3A_44 = arith.cmpi ne, %convert_element_type3A_42, %cond3A_43 : i32
    scf.if %cond3A_44 {
      %mul3A_118 = arith.constant 80 : i32
      %mul3A_119 = arith.muli %add3A_39, %mul3A_118 : i32
      "tpu.region"() ({
        %run_scoped3A = tpu.sem_alloc : memref<!tpu.dma_semaphore, #tpu.memory_space<semaphore_mem>>
        %dma_start3A = arith.constant 0 : i32
        %dma_start3A_120 = tpu.memref_slice %arg7[%mul3A_119, %dma_start3A] : memref<10000x128xf32, #tpu.memory_space<vmem_shared>> -> memref<80x128xf32, #tpu.memory_space<vmem_shared>>
        tpu.enqueue_dma source(%arg5 : memref<80x128xf32, #tpu.memory_space<hbm>>) target(%dma_start3A_120 : memref<80x128xf32, #tpu.memory_space<vmem_shared>>) target_semaphore(%run_scoped3A : memref<!tpu.dma_semaphore, #tpu.memory_space<semaphore_mem>>)
        %dma_wait3A = arith.constant 0 : i32
        %dma_wait3A_121 = tpu.memref_slice %arg7[%mul3A_119, %dma_wait3A] : memref<10000x128xf32, #tpu.memory_space<vmem_shared>> -> memref<80x128xf32, #tpu.memory_space<vmem_shared>>
        tpu.wait_dma2 semaphore(%run_scoped3A : memref<!tpu.dma_semaphore, #tpu.memory_space<semaphore_mem>>) src(%arg5 : memref<80x128xf32, #tpu.memory_space<hbm>>) dst(%dma_wait3A_121 : memref<80x128xf32, #tpu.memory_space<vmem_shared>>)
        tpu.yield
      }) : () -> ()
    } else {
    }
    %add3A_45 = arith.constant 112 : i32
    %add3A_46 = arith.addi %arg1, %add3A_45 : i32
    %lt3A_47 = arith.constant 125 : i32
    %lt3A_48 = arith.cmpi slt, %add3A_46, %lt3A_47 : i32
    %convert_element_type3A_49 = arith.extui %lt3A_48 : i1 to i32
    %cond3A_50 = arith.constant 0 : i32
    %cond3A_51 = arith.cmpi ne, %convert_element_type3A_49, %cond3A_50 : i32
    scf.if %cond3A_51 {
      %mul3A_118 = arith.constant 80 : i32
      %mul3A_119 = arith.muli %add3A_46, %mul3A_118 : i32
      "tpu.region"() ({
        %run_scoped3A = tpu.sem_alloc : memref<!tpu.dma_semaphore, #tpu.memory_space<semaphore_mem>>
        %dma_start3A = arith.constant 0 : i32
        %dma_start3A_120 = tpu.memref_slice %arg7[%mul3A_119, %dma_start3A] : memref<10000x128xf32, #tpu.memory_space<vmem_shared>> -> memref<80x128xf32, #tpu.memory_space<vmem_shared>>
        tpu.enqueue_dma source(%arg5 : memref<80x128xf32, #tpu.memory_space<hbm>>) target(%dma_start3A_120 : memref<80x128xf32, #tpu.memory_space<vmem_shared>>) target_semaphore(%run_scoped3A : memref<!tpu.dma_semaphore, #tpu.memory_space<semaphore_mem>>)
        %dma_wait3A = arith.constant 0 : i32
        %dma_wait3A_121 = tpu.memref_slice %arg7[%mul3A_119, %dma_wait3A] : memref<10000x128xf32, #tpu.memory_space<vmem_shared>> -> memref<80x128xf32, #tpu.memory_space<vmem_shared>>
        tpu.wait_dma2 semaphore(%run_scoped3A : memref<!tpu.dma_semaphore, #tpu.memory_space<semaphore_mem>>) src(%arg5 : memref<80x128xf32, #tpu.memory_space<hbm>>) dst(%dma_wait3A_121 : memref<80x128xf32, #tpu.memory_space<vmem_shared>>)
        tpu.yield
      }) : () -> ()
    } else {
    }
    %barrier3A = arith.constant 0 : index
    tpu.barrier barrier_id(%barrier3A)
    %mul3A = arith.constant 2 : i32
    %mul3A_52 = arith.muli %arg1, %mul3A : i32
    %add3A_53 = arith.addi %mul3A_52, %arg0 : i32
    %mul3A_54 = arith.constant 10000 : i32
    %mul3A_55 = arith.muli %add3A_53, %mul3A_54 : i32
    %scan3A = arith.constant 0 : i32
    %scan3A_56 = arith.constant 0 : i32
    %scan3A_57 = arith.constant 125 : i32
    %scan3A_58 = arith.addi %scan3A_56, %scan3A_57 : i32
    %scan3A_59 = arith.constant 1 : i32
    scf.for %scan3A_118 = %scan3A_56 to %scan3A_58 step %scan3A_59  : i32 {
      %mul3A_119 = arith.constant 80 : i32
      %mul3A_120 = arith.muli %scan3A_118, %mul3A_119 : i32
      %add3A_121 = arith.addi %mul3A_55, %mul3A_120 : i32
      "tpu.region"() ({
        %run_scoped3A = tpu.sem_alloc : memref<!tpu.dma_semaphore, #tpu.memory_space<semaphore_mem>>
        %dma_start3A_126 = tpu.memref_slice %arg3[%add3A_121] : memref<320000xi32, #tpu.memory_space<hbm>> -> memref<80xi32, #tpu.memory_space<hbm>>
        %dma_start3A_127 = tpu.memref_slice %arg3[%add3A_121] : memref<320000xi32, #tpu.memory_space<hbm>> -> memref<80xi32, #tpu.memory_space<hbm>>
        tpu.enqueue_dma source(%dma_start3A_127 : memref<80xi32, #tpu.memory_space<hbm>>) target(%arg8 : memref<80xi32, #tpu.memory_space<vmem>>) target_semaphore(%run_scoped3A : memref<!tpu.dma_semaphore, #tpu.memory_space<semaphore_mem>>)
        %dma_wait3A_128 = tpu.memref_slice %arg3[%add3A_121] : memref<320000xi32, #tpu.memory_space<hbm>> -> memref<80xi32, #tpu.memory_space<hbm>>
        %dma_wait3A_129 = tpu.memref_slice %arg3[%add3A_121] : memref<320000xi32, #tpu.memory_space<hbm>> -> memref<80xi32, #tpu.memory_space<hbm>>
        tpu.wait_dma2 semaphore(%run_scoped3A : memref<!tpu.dma_semaphore, #tpu.memory_space<semaphore_mem>>) src(%dma_wait3A_129 : memref<80xi32, #tpu.memory_space<hbm>>) dst(%arg8 : memref<80xi32, #tpu.memory_space<vmem>>)
        tpu.yield
      }) : () -> ()
      "tpu.region"() ({
        %run_scoped3A = tpu.sem_alloc : memref<!tpu.dma_semaphore, #tpu.memory_space<semaphore_mem>>
        %dma_start3A_126 = tpu.memref_slice %arg4[%add3A_121] : memref<320000xi32, #tpu.memory_space<hbm>> -> memref<80xi32, #tpu.memory_space<hbm>>
        %dma_start3A_127 = tpu.memref_slice %arg4[%add3A_121] : memref<320000xi32, #tpu.memory_space<hbm>> -> memref<80xi32, #tpu.memory_space<hbm>>
        tpu.enqueue_dma source(%dma_start3A_127 : memref<80xi32, #tpu.memory_space<hbm>>) target(%arg9 : memref<80xi32, #tpu.memory_space<vmem>>) target_semaphore(%run_scoped3A : memref<!tpu.dma_semaphore, #tpu.memory_space<semaphore_mem>>)
        %dma_wait3A_128 = tpu.memref_slice %arg4[%add3A_121] : memref<320000xi32, #tpu.memory_space<hbm>> -> memref<80xi32, #tpu.memory_space<hbm>>
        %dma_wait3A_129 = tpu.memref_slice %arg4[%add3A_121] : memref<320000xi32, #tpu.memory_space<hbm>> -> memref<80xi32, #tpu.memory_space<hbm>>
        tpu.wait_dma2 semaphore(%run_scoped3A : memref<!tpu.dma_semaphore, #tpu.memory_space<semaphore_mem>>) src(%dma_wait3A_129 : memref<80xi32, #tpu.memory_space<hbm>>) dst(%arg9 : memref<80xi32, #tpu.memory_space<vmem>>)
        tpu.yield
      }) : () -> ()
      %dma_start3A = arith.constant 0 : i32
      %dma_start3A_122 = arith.constant 0 : i32
      %dma_start3A_123 = tpu.memref_slice %arg2[%dma_start3A, %dma_start3A_122] : memref<10000x128xf32, #tpu.memory_space<hbm>> -> memref<10000x128xf32, #tpu.memory_space<hbm>>
      tpu.enqueue_indirect_dma source(%dma_start3A_123 : memref<10000x128xf32, #tpu.memory_space<hbm>>) target(%arg10 : memref<80x128xf32, #tpu.memory_space<vmem>>) offsets(%arg8 : memref<80xi32, #tpu.memory_space<vmem>>) semaphore(%arg11 : memref<!tpu.dma_semaphore, #tpu.memory_space<semaphore_mem>>)
      %dma_wait3A = arith.constant 0 : i32
      %dma_wait3A_124 = arith.constant 0 : i32
      %dma_wait3A_125 = tpu.memref_slice %arg2[%dma_wait3A, %dma_wait3A_124] : memref<10000x128xf32, #tpu.memory_space<hbm>> -> memref<10000x128xf32, #tpu.memory_space<hbm>>
      tpu.wait_indirect_dma semaphore(%arg11 : memref<!tpu.dma_semaphore, #tpu.memory_space<semaphore_mem>>) src(%dma_wait3A_125 : memref<10000x128xf32, #tpu.memory_space<hbm>>) dst(%arg10 : memref<80x128xf32, #tpu.memory_space<vmem>>)
      "tpu.region"() ({
        %run_scoped3A = tpu.sem_alloc : memref<!tpu.dma_semaphore, #tpu.memory_space<semaphore_mem>>
        %dma_start3A_126 = arith.constant 0 : i32
        %dma_start3A_127 = arith.constant 0 : i32
        %dma_start3A_128 = tpu.memref_slice %arg7[%dma_start3A_126, %dma_start3A_127] : memref<10000x128xf32, #tpu.memory_space<vmem_shared>> -> memref<10000x128xf32, #tpu.memory_space<vmem_shared>>
        tpu.enqueue_indirect_dma source(%arg10 : memref<80x128xf32, #tpu.memory_space<vmem>>) target(%dma_start3A_128 : memref<10000x128xf32, #tpu.memory_space<vmem_shared>>) offsets(%arg9 : memref<80xi32, #tpu.memory_space<vmem>>) semaphore(%run_scoped3A : memref<!tpu.dma_semaphore, #tpu.memory_space<semaphore_mem>>) {add = true}
        %dma_wait3A_129 = arith.constant 0 : i32
        %dma_wait3A_130 = arith.constant 0 : i32
        %dma_wait3A_131 = tpu.memref_slice %arg7[%dma_wait3A_129, %dma_wait3A_130] : memref<10000x128xf32, #tpu.memory_space<vmem_shared>> -> memref<10000x128xf32, #tpu.memory_space<vmem_shared>>
        tpu.wait_indirect_dma semaphore(%run_scoped3A : memref<!tpu.dma_semaphore, #tpu.memory_space<semaphore_mem>>) src(%arg10 : memref<80x128xf32, #tpu.memory_space<vmem>>) dst(%dma_wait3A_131 : memref<10000x128xf32, #tpu.memory_space<vmem_shared>>)
        tpu.yield
      }) : () -> ()
    }
    %scan3A_60 = arith.constant 125 : i32
    %barrier3A_61 = arith.constant 0 : index
    tpu.barrier barrier_id(%barrier3A_61)
    %add3A_62 = arith.constant 0 : i32
    %add3A_63 = arith.addi %arg1, %add3A_62 : i32
    %lt3A_64 = arith.constant 125 : i32
    %lt3A_65 = arith.cmpi slt, %add3A_63, %lt3A_64 : i32
    %convert_element_type3A_66 = arith.extui %lt3A_65 : i1 to i32
    %cond3A_67 = arith.constant 0 : i32
    %cond3A_68 = arith.cmpi ne, %convert_element_type3A_66, %cond3A_67 : i32
    scf.if %cond3A_68 {
      %mul3A_118 = arith.constant 80 : i32
      %mul3A_119 = arith.muli %add3A_63, %mul3A_118 : i32
      %mul3A_120 = arith.constant 10000 : i32
      %mul3A_121 = arith.muli %arg0, %mul3A_120 : i32
      %add3A_122 = arith.addi %mul3A_121, %mul3A_119 : i32
      "tpu.region"() ({
        %run_scoped3A = tpu.sem_alloc : memref<!tpu.dma_semaphore, #tpu.memory_space<semaphore_mem>>
        %dma_start3A = arith.constant 0 : i32
        %dma_start3A_123 = tpu.memref_slice %arg6[%add3A_122, %dma_start3A] : memref<20000x128xf32, #tpu.memory_space<hbm>> -> memref<80x128xf32, #tpu.memory_space<hbm>>
        %dma_start3A_124 = arith.constant 0 : i32
        %dma_start3A_125 = tpu.memref_slice %arg7[%mul3A_119, %dma_start3A_124] : memref<10000x128xf32, #tpu.memory_space<vmem_shared>> -> memref<80x128xf32, #tpu.memory_space<vmem_shared>>
        tpu.enqueue_dma source(%dma_start3A_125 : memref<80x128xf32, #tpu.memory_space<vmem_shared>>) target(%dma_start3A_123 : memref<80x128xf32, #tpu.memory_space<hbm>>) target_semaphore(%run_scoped3A : memref<!tpu.dma_semaphore, #tpu.memory_space<semaphore_mem>>)
        %dma_wait3A = arith.constant 0 : i32
        %dma_wait3A_126 = tpu.memref_slice %arg6[%add3A_122, %dma_wait3A] : memref<20000x128xf32, #tpu.memory_space<hbm>> -> memref<80x128xf32, #tpu.memory_space<hbm>>
        %dma_wait3A_127 = arith.constant 0 : i32
        %dma_wait3A_128 = tpu.memref_slice %arg7[%mul3A_119, %dma_wait3A_127] : memref<10000x128xf32, #tpu.memory_space<vmem_shared>> -> memref<80x128xf32, #tpu.memory_space<vmem_shared>>
        tpu.wait_dma2 semaphore(%run_scoped3A : memref<!tpu.dma_semaphore, #tpu.memory_space<semaphore_mem>>) src(%dma_wait3A_128 : memref<80x128xf32, #tpu.memory_space<vmem_shared>>) dst(%dma_wait3A_126 : memref<80x128xf32, #tpu.memory_space<hbm>>)
        tpu.yield
      }) : () -> ()
    } else {
    }
    %add3A_69 = arith.constant 16 : i32
    %add3A_70 = arith.addi %arg1, %add3A_69 : i32
    %lt3A_71 = arith.constant 125 : i32
    %lt3A_72 = arith.cmpi slt, %add3A_70, %lt3A_71 : i32
    %convert_element_type3A_73 = arith.extui %lt3A_72 : i1 to i32
    %cond3A_74 = arith.constant 0 : i32
    %cond3A_75 = arith.cmpi ne, %convert_element_type3A_73, %cond3A_74 : i32
    scf.if %cond3A_75 {
      %mul3A_118 = arith.constant 80 : i32
      %mul3A_119 = arith.muli %add3A_70, %mul3A_118 : i32
      %mul3A_120 = arith.constant 10000 : i32
      %mul3A_121 = arith.muli %arg0, %mul3A_120 : i32
      %add3A_122 = arith.addi %mul3A_121, %mul3A_119 : i32
      "tpu.region"() ({
        %run_scoped3A = tpu.sem_alloc : memref<!tpu.dma_semaphore, #tpu.memory_space<semaphore_mem>>
        %dma_start3A = arith.constant 0 : i32
        %dma_start3A_123 = tpu.memref_slice %arg6[%add3A_122, %dma_start3A] : memref<20000x128xf32, #tpu.memory_space<hbm>> -> memref<80x128xf32, #tpu.memory_space<hbm>>
        %dma_start3A_124 = arith.constant 0 : i32
        %dma_start3A_125 = tpu.memref_slice %arg7[%mul3A_119, %dma_start3A_124] : memref<10000x128xf32, #tpu.memory_space<vmem_shared>> -> memref<80x128xf32, #tpu.memory_space<vmem_shared>>
        tpu.enqueue_dma source(%dma_start3A_125 : memref<80x128xf32, #tpu.memory_space<vmem_shared>>) target(%dma_start3A_123 : memref<80x128xf32, #tpu.memory_space<hbm>>) target_semaphore(%run_scoped3A : memref<!tpu.dma_semaphore, #tpu.memory_space<semaphore_mem>>)
        %dma_wait3A = arith.constant 0 : i32
        %dma_wait3A_126 = tpu.memref_slice %arg6[%add3A_122, %dma_wait3A] : memref<20000x128xf32, #tpu.memory_space<hbm>> -> memref<80x128xf32, #tpu.memory_space<hbm>>
        %dma_wait3A_127 = arith.constant 0 : i32
        %dma_wait3A_128 = tpu.memref_slice %arg7[%mul3A_119, %dma_wait3A_127] : memref<10000x128xf32, #tpu.memory_space<vmem_shared>> -> memref<80x128xf32, #tpu.memory_space<vmem_shared>>
        tpu.wait_dma2 semaphore(%run_scoped3A : memref<!tpu.dma_semaphore, #tpu.memory_space<semaphore_mem>>) src(%dma_wait3A_128 : memref<80x128xf32, #tpu.memory_space<vmem_shared>>) dst(%dma_wait3A_126 : memref<80x128xf32, #tpu.memory_space<hbm>>)
        tpu.yield
      }) : () -> ()
    } else {
    }
    %add3A_76 = arith.constant 32 : i32
    %add3A_77 = arith.addi %arg1, %add3A_76 : i32
    %lt3A_78 = arith.constant 125 : i32
    %lt3A_79 = arith.cmpi slt, %add3A_77, %lt3A_78 : i32
    %convert_element_type3A_80 = arith.extui %lt3A_79 : i1 to i32
    %cond3A_81 = arith.constant 0 : i32
    %cond3A_82 = arith.cmpi ne, %convert_element_type3A_80, %cond3A_81 : i32
    scf.if %cond3A_82 {
      %mul3A_118 = arith.constant 80 : i32
      %mul3A_119 = arith.muli %add3A_77, %mul3A_118 : i32
      %mul3A_120 = arith.constant 10000 : i32
      %mul3A_121 = arith.muli %arg0, %mul3A_120 : i32
      %add3A_122 = arith.addi %mul3A_121, %mul3A_119 : i32
      "tpu.region"() ({
        %run_scoped3A = tpu.sem_alloc : memref<!tpu.dma_semaphore, #tpu.memory_space<semaphore_mem>>
        %dma_start3A = arith.constant 0 : i32
        %dma_start3A_123 = tpu.memref_slice %arg6[%add3A_122, %dma_start3A] : memref<20000x128xf32, #tpu.memory_space<hbm>> -> memref<80x128xf32, #tpu.memory_space<hbm>>
        %dma_start3A_124 = arith.constant 0 : i32
        %dma_start3A_125 = tpu.memref_slice %arg7[%mul3A_119, %dma_start3A_124] : memref<10000x128xf32, #tpu.memory_space<vmem_shared>> -> memref<80x128xf32, #tpu.memory_space<vmem_shared>>
        tpu.enqueue_dma source(%dma_start3A_125 : memref<80x128xf32, #tpu.memory_space<vmem_shared>>) target(%dma_start3A_123 : memref<80x128xf32, #tpu.memory_space<hbm>>) target_semaphore(%run_scoped3A : memref<!tpu.dma_semaphore, #tpu.memory_space<semaphore_mem>>)
        %dma_wait3A = arith.constant 0 : i32
        %dma_wait3A_126 = tpu.memref_slice %arg6[%add3A_122, %dma_wait3A] : memref<20000x128xf32, #tpu.memory_space<hbm>> -> memref<80x128xf32, #tpu.memory_space<hbm>>
        %dma_wait3A_127 = arith.constant 0 : i32
        %dma_wait3A_128 = tpu.memref_slice %arg7[%mul3A_119, %dma_wait3A_127] : memref<10000x128xf32, #tpu.memory_space<vmem_shared>> -> memref<80x128xf32, #tpu.memory_space<vmem_shared>>
        tpu.wait_dma2 semaphore(%run_scoped3A : memref<!tpu.dma_semaphore, #tpu.memory_space<semaphore_mem>>) src(%dma_wait3A_128 : memref<80x128xf32, #tpu.memory_space<vmem_shared>>) dst(%dma_wait3A_126 : memref<80x128xf32, #tpu.memory_space<hbm>>)
        tpu.yield
      }) : () -> ()
    } else {
    }
    %add3A_83 = arith.constant 48 : i32
    %add3A_84 = arith.addi %arg1, %add3A_83 : i32
    %lt3A_85 = arith.constant 125 : i32
    %lt3A_86 = arith.cmpi slt, %add3A_84, %lt3A_85 : i32
    %convert_element_type3A_87 = arith.extui %lt3A_86 : i1 to i32
    %cond3A_88 = arith.constant 0 : i32
    %cond3A_89 = arith.cmpi ne, %convert_element_type3A_87, %cond3A_88 : i32
    scf.if %cond3A_89 {
      %mul3A_118 = arith.constant 80 : i32
      %mul3A_119 = arith.muli %add3A_84, %mul3A_118 : i32
      %mul3A_120 = arith.constant 10000 : i32
      %mul3A_121 = arith.muli %arg0, %mul3A_120 : i32
      %add3A_122 = arith.addi %mul3A_121, %mul3A_119 : i32
      "tpu.region"() ({
        %run_scoped3A = tpu.sem_alloc : memref<!tpu.dma_semaphore, #tpu.memory_space<semaphore_mem>>
        %dma_start3A = arith.constant 0 : i32
        %dma_start3A_123 = tpu.memref_slice %arg6[%add3A_122, %dma_start3A] : memref<20000x128xf32, #tpu.memory_space<hbm>> -> memref<80x128xf32, #tpu.memory_space<hbm>>
        %dma_start3A_124 = arith.constant 0 : i32
        %dma_start3A_125 = tpu.memref_slice %arg7[%mul3A_119, %dma_start3A_124] : memref<10000x128xf32, #tpu.memory_space<vmem_shared>> -> memref<80x128xf32, #tpu.memory_space<vmem_shared>>
        tpu.enqueue_dma source(%dma_start3A_125 : memref<80x128xf32, #tpu.memory_space<vmem_shared>>) target(%dma_start3A_123 : memref<80x128xf32, #tpu.memory_space<hbm>>) target_semaphore(%run_scoped3A : memref<!tpu.dma_semaphore, #tpu.memory_space<semaphore_mem>>)
        %dma_wait3A = arith.constant 0 : i32
        %dma_wait3A_126 = tpu.memref_slice %arg6[%add3A_122, %dma_wait3A] : memref<20000x128xf32, #tpu.memory_space<hbm>> -> memref<80x128xf32, #tpu.memory_space<hbm>>
        %dma_wait3A_127 = arith.constant 0 : i32
        %dma_wait3A_128 = tpu.memref_slice %arg7[%mul3A_119, %dma_wait3A_127] : memref<10000x128xf32, #tpu.memory_space<vmem_shared>> -> memref<80x128xf32, #tpu.memory_space<vmem_shared>>
        tpu.wait_dma2 semaphore(%run_scoped3A : memref<!tpu.dma_semaphore, #tpu.memory_space<semaphore_mem>>) src(%dma_wait3A_128 : memref<80x128xf32, #tpu.memory_space<vmem_shared>>) dst(%dma_wait3A_126 : memref<80x128xf32, #tpu.memory_space<hbm>>)
        tpu.yield
      }) : () -> ()
    } else {
    }
    %add3A_90 = arith.constant 64 : i32
    %add3A_91 = arith.addi %arg1, %add3A_90 : i32
    %lt3A_92 = arith.constant 125 : i32
    %lt3A_93 = arith.cmpi slt, %add3A_91, %lt3A_92 : i32
    %convert_element_type3A_94 = arith.extui %lt3A_93 : i1 to i32
    %cond3A_95 = arith.constant 0 : i32
    %cond3A_96 = arith.cmpi ne, %convert_element_type3A_94, %cond3A_95 : i32
    scf.if %cond3A_96 {
      %mul3A_118 = arith.constant 80 : i32
      %mul3A_119 = arith.muli %add3A_91, %mul3A_118 : i32
      %mul3A_120 = arith.constant 10000 : i32
      %mul3A_121 = arith.muli %arg0, %mul3A_120 : i32
      %add3A_122 = arith.addi %mul3A_121, %mul3A_119 : i32
      "tpu.region"() ({
        %run_scoped3A = tpu.sem_alloc : memref<!tpu.dma_semaphore, #tpu.memory_space<semaphore_mem>>
        %dma_start3A = arith.constant 0 : i32
        %dma_start3A_123 = tpu.memref_slice %arg6[%add3A_122, %dma_start3A] : memref<20000x128xf32, #tpu.memory_space<hbm>> -> memref<80x128xf32, #tpu.memory_space<hbm>>
        %dma_start3A_124 = arith.constant 0 : i32
        %dma_start3A_125 = tpu.memref_slice %arg7[%mul3A_119, %dma_start3A_124] : memref<10000x128xf32, #tpu.memory_space<vmem_shared>> -> memref<80x128xf32, #tpu.memory_space<vmem_shared>>
        tpu.enqueue_dma source(%dma_start3A_125 : memref<80x128xf32, #tpu.memory_space<vmem_shared>>) target(%dma_start3A_123 : memref<80x128xf32, #tpu.memory_space<hbm>>) target_semaphore(%run_scoped3A : memref<!tpu.dma_semaphore, #tpu.memory_space<semaphore_mem>>)
        %dma_wait3A = arith.constant 0 : i32
        %dma_wait3A_126 = tpu.memref_slice %arg6[%add3A_122, %dma_wait3A] : memref<20000x128xf32, #tpu.memory_space<hbm>> -> memref<80x128xf32, #tpu.memory_space<hbm>>
        %dma_wait3A_127 = arith.constant 0 : i32
        %dma_wait3A_128 = tpu.memref_slice %arg7[%mul3A_119, %dma_wait3A_127] : memref<10000x128xf32, #tpu.memory_space<vmem_shared>> -> memref<80x128xf32, #tpu.memory_space<vmem_shared>>
        tpu.wait_dma2 semaphore(%run_scoped3A : memref<!tpu.dma_semaphore, #tpu.memory_space<semaphore_mem>>) src(%dma_wait3A_128 : memref<80x128xf32, #tpu.memory_space<vmem_shared>>) dst(%dma_wait3A_126 : memref<80x128xf32, #tpu.memory_space<hbm>>)
        tpu.yield
      }) : () -> ()
    } else {
    }
    %add3A_97 = arith.constant 80 : i32
    %add3A_98 = arith.addi %arg1, %add3A_97 : i32
    %lt3A_99 = arith.constant 125 : i32
    %lt3A_100 = arith.cmpi slt, %add3A_98, %lt3A_99 : i32
    %convert_element_type3A_101 = arith.extui %lt3A_100 : i1 to i32
    %cond3A_102 = arith.constant 0 : i32
    %cond3A_103 = arith.cmpi ne, %convert_element_type3A_101, %cond3A_102 : i32
    scf.if %cond3A_103 {
      %mul3A_118 = arith.constant 80 : i32
      %mul3A_119 = arith.muli %add3A_98, %mul3A_118 : i32
      %mul3A_120 = arith.constant 10000 : i32
      %mul3A_121 = arith.muli %arg0, %mul3A_120 : i32
      %add3A_122 = arith.addi %mul3A_121, %mul3A_119 : i32
      "tpu.region"() ({
        %run_scoped3A = tpu.sem_alloc : memref<!tpu.dma_semaphore, #tpu.memory_space<semaphore_mem>>
        %dma_start3A = arith.constant 0 : i32
        %dma_start3A_123 = tpu.memref_slice %arg6[%add3A_122, %dma_start3A] : memref<20000x128xf32, #tpu.memory_space<hbm>> -> memref<80x128xf32, #tpu.memory_space<hbm>>
        %dma_start3A_124 = arith.constant 0 : i32
        %dma_start3A_125 = tpu.memref_slice %arg7[%mul3A_119, %dma_start3A_124] : memref<10000x128xf32, #tpu.memory_space<vmem_shared>> -> memref<80x128xf32, #tpu.memory_space<vmem_shared>>
        tpu.enqueue_dma source(%dma_start3A_125 : memref<80x128xf32, #tpu.memory_space<vmem_shared>>) target(%dma_start3A_123 : memref<80x128xf32, #tpu.memory_space<hbm>>) target_semaphore(%run_scoped3A : memref<!tpu.dma_semaphore, #tpu.memory_space<semaphore_mem>>)
        %dma_wait3A = arith.constant 0 : i32
        %dma_wait3A_126 = tpu.memref_slice %arg6[%add3A_122, %dma_wait3A] : memref<20000x128xf32, #tpu.memory_space<hbm>> -> memref<80x128xf32, #tpu.memory_space<hbm>>
        %dma_wait3A_127 = arith.constant 0 : i32
        %dma_wait3A_128 = tpu.memref_slice %arg7[%mul3A_119, %dma_wait3A_127] : memref<10000x128xf32, #tpu.memory_space<vmem_shared>> -> memref<80x128xf32, #tpu.memory_space<vmem_shared>>
        tpu.wait_dma2 semaphore(%run_scoped3A : memref<!tpu.dma_semaphore, #tpu.memory_space<semaphore_mem>>) src(%dma_wait3A_128 : memref<80x128xf32, #tpu.memory_space<vmem_shared>>) dst(%dma_wait3A_126 : memref<80x128xf32, #tpu.memory_space<hbm>>)
        tpu.yield
      }) : () -> ()
    } else {
    }
    %add3A_104 = arith.constant 96 : i32
    %add3A_105 = arith.addi %arg1, %add3A_104 : i32
    %lt3A_106 = arith.constant 125 : i32
    %lt3A_107 = arith.cmpi slt, %add3A_105, %lt3A_106 : i32
    %convert_element_type3A_108 = arith.extui %lt3A_107 : i1 to i32
    %cond3A_109 = arith.constant 0 : i32
    %cond3A_110 = arith.cmpi ne, %convert_element_type3A_108, %cond3A_109 : i32
    scf.if %cond3A_110 {
      %mul3A_118 = arith.constant 80 : i32
      %mul3A_119 = arith.muli %add3A_105, %mul3A_118 : i32
      %mul3A_120 = arith.constant 10000 : i32
      %mul3A_121 = arith.muli %arg0, %mul3A_120 : i32
      %add3A_122 = arith.addi %mul3A_121, %mul3A_119 : i32
      "tpu.region"() ({
        %run_scoped3A = tpu.sem_alloc : memref<!tpu.dma_semaphore, #tpu.memory_space<semaphore_mem>>
        %dma_start3A = arith.constant 0 : i32
        %dma_start3A_123 = tpu.memref_slice %arg6[%add3A_122, %dma_start3A] : memref<20000x128xf32, #tpu.memory_space<hbm>> -> memref<80x128xf32, #tpu.memory_space<hbm>>
        %dma_start3A_124 = arith.constant 0 : i32
        %dma_start3A_125 = tpu.memref_slice %arg7[%mul3A_119, %dma_start3A_124] : memref<10000x128xf32, #tpu.memory_space<vmem_shared>> -> memref<80x128xf32, #tpu.memory_space<vmem_shared>>
        tpu.enqueue_dma source(%dma_start3A_125 : memref<80x128xf32, #tpu.memory_space<vmem_shared>>) target(%dma_start3A_123 : memref<80x128xf32, #tpu.memory_space<hbm>>) target_semaphore(%run_scoped3A : memref<!tpu.dma_semaphore, #tpu.memory_space<semaphore_mem>>)
        %dma_wait3A = arith.constant 0 : i32
        %dma_wait3A_126 = tpu.memref_slice %arg6[%add3A_122, %dma_wait3A] : memref<20000x128xf32, #tpu.memory_space<hbm>> -> memref<80x128xf32, #tpu.memory_space<hbm>>
        %dma_wait3A_127 = arith.constant 0 : i32
        %dma_wait3A_128 = tpu.memref_slice %arg7[%mul3A_119, %dma_wait3A_127] : memref<10000x128xf32, #tpu.memory_space<vmem_shared>> -> memref<80x128xf32, #tpu.memory_space<vmem_shared>>
        tpu.wait_dma2 semaphore(%run_scoped3A : memref<!tpu.dma_semaphore, #tpu.memory_space<semaphore_mem>>) src(%dma_wait3A_128 : memref<80x128xf32, #tpu.memory_space<vmem_shared>>) dst(%dma_wait3A_126 : memref<80x128xf32, #tpu.memory_space<hbm>>)
        tpu.yield
      }) : () -> ()
    } else {
    }
    %add3A_111 = arith.constant 112 : i32
    %add3A_112 = arith.addi %arg1, %add3A_111 : i32
    %lt3A_113 = arith.constant 125 : i32
    %lt3A_114 = arith.cmpi slt, %add3A_112, %lt3A_113 : i32
    %convert_element_type3A_115 = arith.extui %lt3A_114 : i1 to i32
    %cond3A_116 = arith.constant 0 : i32
    %cond3A_117 = arith.cmpi ne, %convert_element_type3A_115, %cond3A_116 : i32
    scf.if %cond3A_117 {
      %mul3A_118 = arith.constant 80 : i32
      %mul3A_119 = arith.muli %add3A_112, %mul3A_118 : i32
      %mul3A_120 = arith.constant 10000 : i32
      %mul3A_121 = arith.muli %arg0, %mul3A_120 : i32
      %add3A_122 = arith.addi %mul3A_121, %mul3A_119 : i32
      "tpu.region"() ({
        %run_scoped3A = tpu.sem_alloc : memref<!tpu.dma_semaphore, #tpu.memory_space<semaphore_mem>>
        %dma_start3A = arith.constant 0 : i32
        %dma_start3A_123 = tpu.memref_slice %arg6[%add3A_122, %dma_start3A] : memref<20000x128xf32, #tpu.memory_space<hbm>> -> memref<80x128xf32, #tpu.memory_space<hbm>>
        %dma_start3A_124 = arith.constant 0 : i32
        %dma_start3A_125 = tpu.memref_slice %arg7[%mul3A_119, %dma_start3A_124] : memref<10000x128xf32, #tpu.memory_space<vmem_shared>> -> memref<80x128xf32, #tpu.memory_space<vmem_shared>>
        tpu.enqueue_dma source(%dma_start3A_125 : memref<80x128xf32, #tpu.memory_space<vmem_shared>>) target(%dma_start3A_123 : memref<80x128xf32, #tpu.memory_space<hbm>>) target_semaphore(%run_scoped3A : memref<!tpu.dma_semaphore, #tpu.memory_space<semaphore_mem>>)
        %dma_wait3A = arith.constant 0 : i32
        %dma_wait3A_126 = tpu.memref_slice %arg6[%add3A_122, %dma_wait3A] : memref<20000x128xf32, #tpu.memory_space<hbm>> -> memref<80x128xf32, #tpu.memory_space<hbm>>
        %dma_wait3A_127 = arith.constant 0 : i32
        %dma_wait3A_128 = tpu.memref_slice %arg7[%mul3A_119, %dma_wait3A_127] : memref<10000x128xf32, #tpu.memory_space<vmem_shared>> -> memref<80x128xf32, #tpu.memory_space<vmem_shared>>
        tpu.wait_dma2 semaphore(%run_scoped3A : memref<!tpu.dma_semaphore, #tpu.memory_space<semaphore_mem>>) src(%dma_wait3A_128 : memref<80x128xf32, #tpu.memory_space<vmem_shared>>) dst(%dma_wait3A_126 : memref<80x128xf32, #tpu.memory_space<hbm>>)
        tpu.yield
      }) : () -> ()
    } else {
    }
    return
  }
}

module attributes {stable_mosaic.version = 14 : i64} {
  func.func @_tc_body(%arg0: i32, %arg1: memref<2x2000x128xf32, #tpu.memory_space<vmem>>, %arg2: memref<2000x128xf32, #tpu.memory_space<vmem>>, %arg3: memref<1x1x2000xi32, #tpu.memory_space<vmem>>, %arg4: memref<128x128xf32, #tpu.memory_space<vmem>>, %arg5: memref<1x128xf32, #tpu.memory_space<vmem>>, %arg6: memref<128x128xf32, #tpu.memory_space<vmem>>, %arg7: memref<128x128xf32, #tpu.memory_space<vmem>>, %arg8: memref<1x128xf32, #tpu.memory_space<vmem>>, %arg9: memref<64x128xf32, #tpu.memory_space<vmem>>, %arg10: memref<64x128xf32, #tpu.memory_space<vmem>>, %arg11: memref<64x128xf32, #tpu.memory_space<vmem>>) attributes {dimension_semantics = [#tpu.dimension_semantics<arbitrary>], iteration_bounds = array<i64: 5>, scalar_prefetch = 0 : i64, scratch_operands = 2 : i64, tpu.core_type = #tpu.core_type<tc>, window_params = [{transform_indices = @transform_0, window_bounds = array<i64: 2, 2000, 128>}, {transform_indices = @transform_1, window_bounds = array<i64: 2000, 128>}, {transform_indices = @transform_2, window_bounds = array<i64: 1, 1, 2000>}, {pipeline_mode = #tpu.pipeline_mode<synchronous>, transform_indices = @transform_3, window_bounds = array<i64: 128, 128>}, {pipeline_mode = #tpu.pipeline_mode<synchronous>, transform_indices = @transform_4, window_bounds = array<i64: 1, 128>}, {pipeline_mode = #tpu.pipeline_mode<synchronous>, transform_indices = @transform_5, window_bounds = array<i64: 128, 128>}, {pipeline_mode = #tpu.pipeline_mode<synchronous>, transform_indices = @transform_6, window_bounds = array<i64: 128, 128>}, {pipeline_mode = #tpu.pipeline_mode<synchronous>, transform_indices = @transform_7, window_bounds = array<i64: 1, 128>}, {pipeline_mode = #tpu.pipeline_mode<synchronous>, transform_indices = @transform_8, window_bounds = array<i64: 64, 128>}]} {
    %eq3A = arith.constant 0 : i32
    %eq3A_0 = arith.cmpi eq, %arg0, %eq3A : i32
    %convert_element_type3A = arith.extui %eq3A_0 : i1 to i32
    %cond3A = arith.constant 0 : i32
    %cond3A_1 = arith.cmpi ne, %convert_element_type3A, %cond3A : i32
    scf.if %cond3A_1 {
      %broadcast_in_dim3A_61 = arith.constant 0.000000e+00 : f32
      %broadcast_in_dim3A_62 = vector.broadcast %broadcast_in_dim3A_61 : f32 to vector<64x128xf32>
      %swap3A_63 = arith.constant 0 : index
      %swap3A_64 = arith.constant 0 : index
      %swap3A_65 = vector.load %arg10[%swap3A_63, %swap3A_64] : memref<64x128xf32, #tpu.memory_space<vmem>>, vector<64x128xf32>
      tpu.vector_store %arg10[%swap3A_63, %swap3A_64], %broadcast_in_dim3A_62 {strides = array<i32>} : memref<64x128xf32, #tpu.memory_space<vmem>>, vector<64x128xf32>,
      %broadcast_in_dim3A_66 = arith.constant 0.000000e+00 : f32
      %broadcast_in_dim3A_67 = vector.broadcast %broadcast_in_dim3A_66 : f32 to vector<64x128xf32>
      %swap3A_68 = arith.constant 0 : index
      %swap3A_69 = arith.constant 0 : index
      %swap3A_70 = vector.load %arg11[%swap3A_68, %swap3A_69] : memref<64x128xf32, #tpu.memory_space<vmem>>, vector<64x128xf32>
      tpu.vector_store %arg11[%swap3A_68, %swap3A_69], %broadcast_in_dim3A_67 {strides = array<i32>} : memref<64x128xf32, #tpu.memory_space<vmem>>, vector<64x128xf32>,
    } else {
    }
    %get3A = arith.constant 0 : index
    %get3A_2 = arith.constant 0 : index
    %get3A_3 = arith.constant 0 : index
    %get3A_4 = vector.load %arg1[%get3A, %get3A_2, %get3A_3] : memref<2x2000x128xf32, #tpu.memory_space<vmem>>, vector<1x2000x128xf32>
    %get3A_5 = vector.shape_cast %get3A_4 : vector<1x2000x128xf32> to vector<2000x128xf32>
    %get3A_6 = arith.constant 1 : index
    %get3A_7 = arith.constant 0 : index
    %get3A_8 = arith.constant 0 : index
    %get3A_9 = vector.load %arg1[%get3A_6, %get3A_7, %get3A_8] : memref<2x2000x128xf32, #tpu.memory_space<vmem>>, vector<1x2000x128xf32>
    %get3A_10 = vector.shape_cast %get3A_9 : vector<1x2000x128xf32> to vector<2000x128xf32>
    %add3A = arith.addf %get3A_5, %get3A_10 : vector<2000x128xf32>
    %get3A_11 = arith.constant 0 : index
    %get3A_12 = arith.constant 0 : index
    %get3A_13 = vector.load %arg2[%get3A_11, %get3A_12] : memref<2000x128xf32, #tpu.memory_space<vmem>>, vector<2000x128xf32>
    %get3A_14 = arith.constant 0 : index
    %get3A_15 = arith.constant 0 : index
    %get3A_16 = vector.load %arg4[%get3A_14, %get3A_15] : memref<128x128xf32, #tpu.memory_space<vmem>>, vector<128x128xf32>
    %dot_general3A = arith.constant dense<0.000000e+00> : vector<2000x128xf32>
    %dot_general3A_17 = tpu.matmul %add3A, %get3A_16, %dot_general3A {dimension_numbers = #tpu.dot_dimension_numbers<[1], [1], [0], [0], [0, 0, 1, 0], [], []>, precision = #tpu.contract_precision<fp32>, transpose_lhs_hint = false} : vector<2000x128xf32>, vector<128x128xf32>, vector<2000x128xf32> -> vector<2000x128xf32>
    %get3A_18 = arith.constant 0 : index
    %get3A_19 = arith.constant 0 : index
    %get3A_20 = vector.load %arg6[%get3A_18, %get3A_19] : memref<128x128xf32, #tpu.memory_space<vmem>>, vector<128x128xf32>
    %dot_general3A_21 = arith.constant dense<0.000000e+00> : vector<2000x128xf32>
    %dot_general3A_22 = tpu.matmul %get3A_13, %get3A_20, %dot_general3A_21 {dimension_numbers = #tpu.dot_dimension_numbers<[1], [1], [0], [0], [0, 0, 1, 0], [], []>, precision = #tpu.contract_precision<fp32>, transpose_lhs_hint = false} : vector<2000x128xf32>, vector<128x128xf32>, vector<2000x128xf32> -> vector<2000x128xf32>
    %add3A_23 = arith.addf %dot_general3A_17, %dot_general3A_22 : vector<2000x128xf32>
    %get3A_24 = arith.constant 0 : index
    %get3A_25 = arith.constant 0 : index
    %get3A_26 = vector.load %arg5[%get3A_24, %get3A_25] : memref<1x128xf32, #tpu.memory_space<vmem>>, vector<1x128xf32>
    %add3A_27 = vector.broadcast %get3A_26 : vector<1x128xf32> to vector<2000x128xf32>
    %add3A_28 = arith.addf %add3A_23, %add3A_27 : vector<2000x128xf32>
    %tanh3A = math.tanh %add3A_28 : vector<2000x128xf32>
    %get3A_29 = arith.constant 0 : index
    %get3A_30 = arith.constant 0 : index
    %get3A_31 = arith.constant 0 : index
    %get3A_32 = vector.load %arg3[%get3A_29, %get3A_30, %get3A_31] : memref<1x1x2000xi32, #tpu.memory_space<vmem>>, vector<1x1x2000xi32>
    %get3A_33 = vector.shape_cast %get3A_32 : vector<1x1x2000xi32> to vector<1x2000xi32>
    %iota3A = tpu.iota {dimensions = array<i32: 0>} : vector<64x2000xi32>
    %eq3A_34 = vector.broadcast %get3A_33 : vector<1x2000xi32> to vector<64x2000xi32>
    %eq3A_35 = arith.cmpi eq, %iota3A, %eq3A_34 : vector<64x2000xi32>
    %convert_element_type3A_36 = arith.extui %eq3A_35 : vector<64x2000xi1> to vector<64x2000xi32>
    %convert_element_type3A_37 = arith.sitofp %convert_element_type3A_36 : vector<64x2000xi32> to vector<64x2000xf32>
    %get3A_38 = arith.constant 0 : index
    %get3A_39 = arith.constant 0 : index
    %get3A_40 = vector.load %arg10[%get3A_38, %get3A_39] : memref<64x128xf32, #tpu.memory_space<vmem>>, vector<64x128xf32>
    %dot_general3A_41 = arith.constant dense<0.000000e+00> : vector<64x128xf32>
    %dot_general3A_42 = tpu.matmul %convert_element_type3A_37, %tanh3A, %dot_general3A_41 {dimension_numbers = #tpu.dot_dimension_numbers<[1], [0], [0], [1], [0, 0, 1, 1], [], []>, precision = #tpu.contract_precision<fp32>, transpose_lhs_hint = false} : vector<64x2000xf32>, vector<2000x128xf32>, vector<64x128xf32> -> vector<64x128xf32>
    %add3A_43 = arith.addf %get3A_40, %dot_general3A_42 : vector<64x128xf32>
    %swap3A = arith.constant 0 : index
    %swap3A_44 = arith.constant 0 : index
    %swap3A_45 = vector.load %arg10[%swap3A, %swap3A_44] : memref<64x128xf32, #tpu.memory_space<vmem>>, vector<64x128xf32>
    tpu.vector_store %arg10[%swap3A, %swap3A_44], %add3A_43 {strides = array<i32>} : memref<64x128xf32, #tpu.memory_space<vmem>>, vector<64x128xf32>,
    %get3A_46 = arith.constant 0 : index
    %get3A_47 = arith.constant 0 : index
    %get3A_48 = vector.load %arg11[%get3A_46, %get3A_47] : memref<64x128xf32, #tpu.memory_space<vmem>>, vector<64x128xf32>
    %broadcast_in_dim3A = arith.constant 1.000000e+00 : f32
    %broadcast_in_dim3A_49 = vector.broadcast %broadcast_in_dim3A : f32 to vector<2000x128xf32>
    %dot_general3A_50 = arith.constant dense<0.000000e+00> : vector<64x128xf32>
    %dot_general3A_51 = tpu.matmul %convert_element_type3A_37, %broadcast_in_dim3A_49, %dot_general3A_50 {dimension_numbers = #tpu.dot_dimension_numbers<[1], [0], [0], [1], [0, 0, 1, 1], [], []>, precision = #tpu.contract_precision<fp32>, transpose_lhs_hint = false} : vector<64x2000xf32>, vector<2000x128xf32>, vector<64x128xf32> -> vector<64x128xf32>
    %add3A_52 = arith.addf %get3A_48, %dot_general3A_51 : vector<64x128xf32>
    %swap3A_53 = arith.constant 0 : index
    %swap3A_54 = arith.constant 0 : index
    %swap3A_55 = vector.load %arg11[%swap3A_53, %swap3A_54] : memref<64x128xf32, #tpu.memory_space<vmem>>, vector<64x128xf32>
    tpu.vector_store %arg11[%swap3A_53, %swap3A_54], %add3A_52 {strides = array<i32>} : memref<64x128xf32, #tpu.memory_space<vmem>>, vector<64x128xf32>,
    %eq3A_56 = arith.constant 4 : i32
    %eq3A_57 = arith.cmpi eq, %arg0, %eq3A_56 : i32
    %convert_element_type3A_58 = arith.extui %eq3A_57 : i1 to i32
    %cond3A_59 = arith.constant 0 : i32
    %cond3A_60 = arith.cmpi ne, %convert_element_type3A_58, %cond3A_59 : i32
    scf.if %cond3A_60 {
      %get3A_61 = arith.constant 0 : index
      %get3A_62 = arith.constant 0 : index
      %get3A_63 = vector.load %arg10[%get3A_61, %get3A_62] : memref<64x128xf32, #tpu.memory_space<vmem>>, vector<64x128xf32>
      %get3A_64 = arith.constant 0 : index
      %get3A_65 = arith.constant 0 : index
      %get3A_66 = vector.load %arg11[%get3A_64, %get3A_65] : memref<64x128xf32, #tpu.memory_space<vmem>>, vector<64x128xf32>
      %max3A = arith.constant 1.000000e+00 : f32
      %max3A_67 = vector.broadcast %max3A : f32 to vector<64x128xf32>
      %max3A_68 = arith.maximumf %get3A_66, %max3A_67 : vector<64x128xf32>
      %div3A = arith.divf %get3A_63, %max3A_68 : vector<64x128xf32>
      %get3A_69 = arith.constant 0 : index
      %get3A_70 = arith.constant 0 : index
      %get3A_71 = vector.load %arg7[%get3A_69, %get3A_70] : memref<128x128xf32, #tpu.memory_space<vmem>>, vector<128x128xf32>
      %dot_general3A_72 = arith.constant dense<0.000000e+00> : vector<64x128xf32>
      %dot_general3A_73 = tpu.matmul %div3A, %get3A_71, %dot_general3A_72 {dimension_numbers = #tpu.dot_dimension_numbers<[1], [1], [0], [0], [0, 0, 1, 0], [], []>, precision = #tpu.contract_precision<fp32>, transpose_lhs_hint = false} : vector<64x128xf32>, vector<128x128xf32>, vector<64x128xf32> -> vector<64x128xf32>
      %get3A_74 = arith.constant 0 : index
      %get3A_75 = arith.constant 0 : index
      %get3A_76 = vector.load %arg8[%get3A_74, %get3A_75] : memref<1x128xf32, #tpu.memory_space<vmem>>, vector<1x128xf32>
      %add3A_77 = vector.broadcast %get3A_76 : vector<1x128xf32> to vector<64x128xf32>
      %add3A_78 = arith.addf %dot_general3A_73, %add3A_77 : vector<64x128xf32>
      %tanh3A_79 = math.tanh %add3A_78 : vector<64x128xf32>
      %swap3A_80 = arith.constant 0 : index
      %swap3A_81 = arith.constant 0 : index
      %swap3A_82 = vector.load %arg9[%swap3A_80, %swap3A_81] : memref<64x128xf32, #tpu.memory_space<vmem>>, vector<64x128xf32>
      tpu.vector_store %arg9[%swap3A_80, %swap3A_81], %tanh3A_79 {strides = array<i32>} : memref<64x128xf32, #tpu.memory_space<vmem>>, vector<64x128xf32>,
    } else {
    }
    return
  }
  func.func @transform_0(%arg0: i32) -> (i32, i32, i32) {
    %c0_i32 = arith.constant 0 : i32
    %c0_i32_0 = arith.constant 0 : i32
    %c0_i32_1 = arith.constant 0 : i32
    return %c0_i32, %arg0, %c0_i32_0 : i32, i32, i32
  }
  func.func @transform_1(%arg0: i32) -> (i32, i32) {
    %c0_i32 = arith.constant 0 : i32
    %c0_i32_0 = arith.constant 0 : i32
    return %arg0, %c0_i32 : i32, i32
  }
  func.func @transform_2(%arg0: i32) -> (i32, i32, i32) {
    %c0_i32 = arith.constant 0 : i32
    %c0_i32_0 = arith.constant 0 : i32
    %c0_i32_1 = arith.constant 0 : i32
    return %arg0, %c0_i32, %c0_i32_0 : i32, i32, i32
  }
  func.func @transform_3(%arg0: i32) -> (i32, i32) {
    %c0_i32 = arith.constant 0 : i32
    %c0_i32_0 = arith.constant 0 : i32
    %c0_i32_1 = arith.constant 0 : i32
    return %c0_i32, %c0_i32_0 : i32, i32
  }
  func.func @transform_4(%arg0: i32) -> (i32, i32) {
    %c0_i32 = arith.constant 0 : i32
    %c0_i32_0 = arith.constant 0 : i32
    %c0_i32_1 = arith.constant 0 : i32
    return %c0_i32, %c0_i32_0 : i32, i32
  }
  func.func @transform_5(%arg0: i32) -> (i32, i32) {
    %c0_i32 = arith.constant 0 : i32
    %c0_i32_0 = arith.constant 0 : i32
    %c0_i32_1 = arith.constant 0 : i32
    return %c0_i32, %c0_i32_0 : i32, i32
  }
  func.func @transform_6(%arg0: i32) -> (i32, i32) {
    %c0_i32 = arith.constant 0 : i32
    %c0_i32_0 = arith.constant 0 : i32
    %c0_i32_1 = arith.constant 0 : i32
    return %c0_i32, %c0_i32_0 : i32, i32
  }
  func.func @transform_7(%arg0: i32) -> (i32, i32) {
    %c0_i32 = arith.constant 0 : i32
    %c0_i32_0 = arith.constant 0 : i32
    %c0_i32_1 = arith.constant 0 : i32
    return %c0_i32, %c0_i32_0 : i32, i32
  }
  func.func @transform_8(%arg0: i32) -> (i32, i32) {
    %c0_i32 = arith.constant 0 : i32
    %c0_i32_0 = arith.constant 0 : i32
    %c0_i32_1 = arith.constant 0 : i32
    return %c0_i32, %c0_i32_0 : i32, i32
  }
}

</mosaic_0001>

<sc_bundles>
// kernel: kernel.4.cloned.1.call-start
scs
__scs_entry_jumppad:
0x0: {  	(pc) =	sbr.rel $0x88, $3  }
0x1: {  	(tag) =	ssettag $0x0;
	lr =	simm.s32 $0x1  }
0x2: {  	[smem:$0x3F99] =	sst lr;
	_ =	strace $0xD0000000  }
0x3: {  	_ = 	snop  }
0x4: {  	_ = 	snop  }
0x5: {  	_ = 	snop  }
0x6: {  	_ = 	snop  }
0x7: {  	_ = 	snop  }
__scs_overlays_trampoline_lowered:
0x8: {  	[smem:$0x3FA8] =	sst s0  }
0x9: {  	[smem:$0x3FA9] =	sst s1  }
0xa: {  	[smem:$0x3FAA] =	sst s2  }
0xb: {  	[smem:$0x3FAB] =	sst s3  }
0xc: {  	[smem:$0x3FAC] =	sst s4  }
0xd: {  	[smem:$0x3FAD] =	sst s5  }
0xe: {  	[smem:$0x3FAE] =	sst s6  }
0xf: {  	[smem:$0x3FAF] =	sst s7  }
0x10: {  	[smem:$0x3FB0] =	sst s8  }
0x11: {  	[smem:$0x3FB1] =	sst s9;
	s0 =	simm.s32 @!p0 $0x0  }
0x12: {  	s1 =	sld [smem:$0x3F97];
	s0 =	simm.s32 @p0 $0x1  }
0x13: {  	[smem:$0x3FB2] =	sst s0;
	s0 =	simm.s32 @!p1 $0x0  }
0x14: {  	s2 =	sld [smem:$0x3F96];
	s0 =	simm.s32 @p1 $0x1  }
0x15: {  	[smem:$0x3FB3] =	sst s0;
	s0 =	simm.s32 @!p2 $0x0  }
0x16: {  	s3 =	sld [smem:$0x3FDB];
	s0 =	simm.s32 @p2 $0x1  }
0x17: {  	s4 =	simm.s32 $0x1BF5;
	[smem:$0x3FB5] =	sst s0  }
0x18: {  	s0 =	sld [smem:$0x3F98];
	_ =	swait.ge [sflag:s4], $0x0  }
0x19: {  	s7 =	sld [smem:$0x3F99]  }
0x1a: {  	s8 =	sadd.s32 $0xFFFFE003, lr  }
0x1b: {  	s9 =	sadd.s32 $0xFFFFFEF7, lr;
	s5 =	simm.s32 $0xFFFFFFFF;
	p2 =	slt.u32 s8, $0xFFFFF086  }
0x1c: {  	p1 =	slt.u32 s9, $0xF7A;
	s5 =	simm.s32 @!p2 $0x0  }
0x1d: {  	s5 =	simm.s32 @p1 $0x1;
	p0 =	seq.s32 s7, s2  }
0x1e: {  	s7 =	smul.u32 @!p0 $0xF7A, s2;
	p2 =	seq.s32 @!p0 s5, $0x0  }
0x1f: {  	s9 =	smul.u32 $0xF7A, s1;
	s8 =	simm.s32 @!p0 $0x1BF5;
	p2 =	por !p2, p0  }
0x20: {  	[sflag:s8] =	ssyncset.s32 @!p0 $0xFFFFF086;
	s6 =	sadd.s32 @!p0 s3, s7;
	s7 =	simm.s32 @!p0 $0x108  }
0x21: {  	s3 =	sadd.s32 s3, s9;
	s6 =	sadd.s32 @!p0 $0x88, s6;
	s7 =	simm.s32 @p2 $0x1082  }
0x22: {  	[simem:s7], [sflag:s8] =	dma.local @!p0 [hbm:s6], $0xF7A  }
0x23: {  	s9 =	sor.u32 $0xD0000000, s2;
	s6 =	simm.s32 $0x108;
	_ =	swait.ge @!p0 [sflag:s8], $0x0  }
0x24: {  	s3 =	sadd.s32 $0x88, s3;
	s6 =	simm.s32 @!p1 $0x1082;
	[sflag:s4] =	ssyncset.s32 $0xFFFFF086  }
0x25: {  	[simem:s6], [sflag:s4] =	dma.local [hbm:s3], $0xF7A  }
0x26: {  	[smem:$0x3F99] =	sst s1;
	(tag) =	ssettag s2;
	_ =	strace s9  }
0x27: {  	s1 =	sld [smem:$0x3FA9]  }
0x28: {  	s2 =	sld [smem:$0x3FAA]  }
0x29: {  	s4 =	sld [smem:$0x3FAC]  }
0x2a: {  	p0 =	seq.s32 s5, $0x0;
	s5 =	sld [smem:$0x3FAD]  }
0x2b: {  	s6 =	sld [smem:$0x3FAE]  }
0x2c: {  	s7 =	sld [smem:$0x3FAF]  }
0x2d: {  	s3 =	simm.s32 $0x108;
	s8 =	sld [smem:$0x3FB0]  }
0x2e: {  	s3 =	simm.s32 @!p0 $0x1082;
	s9 =	sld [smem:$0x3FB1]  }
0x2f: {  	lr =	sadd.s32 s0, s3;
	s0 =	sld [smem:$0x3FA8]  }
0x30: {  	s3 =	sld [smem:$0x3FAB]  }
0x31: {  	[smem:$0x3FB4] =	sst s10  }
0x32: {  	s10 =	sld [smem:$0x3FB2];
	_ =	sdelay $0x3  }
0x33: {  	p0 =	seq.s32 s10, $0x1;
	s10 =	sld [smem:$0x3FB4];
	_ =	sdelay $0x3  }
0x34: {  	[smem:$0x3FB4] =	sst s10  }
0x35: {  	s10 =	sld [smem:$0x3FB3];
	_ =	sdelay $0x3  }
0x36: {  	p1 =	seq.s32 s10, $0x1;
	s10 =	sld [smem:$0x3FB4];
	_ =	sdelay $0x3  }
0x37: {  	[smem:$0x3FB4] =	sst s10  }
0x38: {  	s10 =	sld [smem:$0x3FB5]  }
0x39: {  	_ = 	snop;
	(pc) =	sbr.ind lr, $3  }
0x3a: {  	_ = 	snop  }
0x3b: {  	_ = 	snop  }
0x3c: {  	p2 =	seq.s32 s10, $0x1;
	s10 =	sld [smem:$0x3FB4]  }
0x3d: {  	_ =	shalt  }
0x3e: {  	_ =	shalt  }
0x3f: {  	_ =	shalt  }
0x40: {  	_ =	shalt  }
0x41: {  	_ =	shalt  }
0x42: {  	_ =	shalt  }
0x43: {  	_ =	shalt  }
0x44: {  	_ =	shalt  }
0x45: {  	_ =	shalt  }
0x46: {  	_ =	shalt  }
0x47: {  	_ =	shalt  }
0x48: {  	_ =	shalt  }
0x49: {  	_ =	shalt  }
0x4a: {  	_ =	shalt  }
0x4b: {  	_ =	shalt  }
0x4c: {  	_ =	shalt  }
0x4d: {  	_ =	shalt  }
0x4e: {  	_ =	shalt  }
0x4f: {  	_ =	shalt  }
0x50: {  	_ =	shalt  }
0x51: {  	_ =	shalt  }
0x52: {  	_ =	shalt  }
0x53: {  	_ =	shalt  }
0x54: {  	_ =	shalt  }
0x55: {  	_ =	shalt  }
0x56: {  	_ =	shalt  }
0x57: {  	_ =	shalt  }
0x58: {  	_ =	shalt  }
0x59: {  	_ =	shalt  }
0x5a: {  	_ =	shalt  }
0x5b: {  	_ =	shalt  }
0x5c: {  	_ =	shalt  }
0x5d: {  	_ =	shalt  }
0x5e: {  	_ =	shalt  }
0x5f: {  	_ =	shalt  }
0x60: {  	_ =	shalt  }
0x61: {  	_ =	shalt  }
0x62: {  	_ =	shalt  }
0x63: {  	_ =	shalt  }
0x64: {  	_ =	shalt  }
0x65: {  	_ =	shalt  }
0x66: {  	_ =	shalt  }
0x67: {  	_ =	shalt  }
0x68: {  	_ =	shalt  }
0x69: {  	_ =	shalt  }
0x6a: {  	_ =	shalt  }
0x6b: {  	_ =	shalt  }
0x6c: {  	_ =	shalt  }
0x6d: {  	_ =	shalt  }
0x6e: {  	_ =	shalt  }
0x6f: {  	_ =	shalt  }
0x70: {  	_ =	shalt  }
0x71: {  	_ =	shalt  }
0x72: {  	_ =	shalt  }
0x73: {  	_ =	shalt  }
0x74: {  	_ =	shalt  }
0x75: {  	_ =	shalt  }
0x76: {  	_ =	shalt  }
0x77: {  	_ =	shalt  }
0x78: {  	_ =	shalt  }
0x79: {  	_ =	shalt  }
0x7a: {  	_ =	shalt  }
0x7b: {  	_ =	shalt  }
0x7c: {  	_ =	shalt  }
0x7d: {  	_ =	shalt  }
0x7e: {  	_ =	shalt  }
0x7f: {  	_ =	shalt  }
0x80: {  	_ =	shalt  }
0x81: {  	_ =	shalt  }
0x82: {  	_ =	shalt  }
0x83: {  	_ =	shalt  }
0x84: {  	_ =	shalt  }
0x85: {  	_ =	shalt  }
0x86: {  	_ =	shalt  }
0x87: {  	_ =	shalt  }
.Lfunc_end0:
.L_simem_size_0:
called_computation_lowered:
.L_overlay_start_0:
0x88: {  	s2 =	sld [smem:$0x3FD9]  }
0x89: {  	s3 =	sld [smem:$0x3FFE];
	_ =	sdelay $0x1  }
0x8a: {  	s1 =	srdreg.scid  }
0x8b: {  	s0 =	sand.u32 $0x1, s1  }
0x8c: {  	s17 =	sshll.u32 s0, $0xA;
	s2 =	sadd.s32 s3, s2  }
0x8d: {  	s2 =	sadd.s32 s2, s17  }
0x8e: {  	[smem:$0x3FC0] =	sst s2  }
0x8f: {  	_ = 	snop  }
0x90: {  	s2 =	sld [smem:$0x3FC9];
	(tm) =	ssettm $0x1  }
0x91: {  	s18 =	sld [smem:$0x3FFB];
	_ =	sdelay $0x3  }
0x92: {  	_ =	strace s18  }
0x93: {  	s3 =	sld [smem:$0x3FFC];
	_ =	sdelay $0x3  }
0x94: {  	_ =	strace s3  }
0x95: {  	s3 =	sld [smem:$0x3FFD];
	_ =	sdelay $0x3  }
0x96: {  	_ =	strace s3  }
0x97: {  	_ =	strace $0x8FFFFFFF  }
0x98: {  	s19 =	sld [smem:$0x3FDB];
	_ =	sdelay $0x1  }
0x99: {  	s4 =	simm.s32 $_scs_section_size  }
0x9a: {  	s5 =	simm.s32 $_size__tile_overlayer_lowered;
	s6 =	simm.s32 $_tile_overlayer_lowered  }
0x9b: {  	s22 =	simm.s32 $0x1BFF;
	s21 =	sshll.u32 s6, $0x1;
	s3 =	sadd.s32 s4, s19  }
0x9c: {  	s7 =	simm.s32 $0x0;
	s20 =	sshll.u32 s5, $0x1;
	s5 =	sadd.s32 s21, s3  }
0x9d: {  	[timem:s7], [sflag:s22] =	dma.local [hbm:s5], s20  }
0x9e: {  	_ =	swait.ge [sflag:s22], s20  }
0x9f: {  	s4 =	ssub.s32 $0x0, s20;
	[sflag:s22] =	ssyncset.done $0x0  }
0xa0: {  	[sflag:s22] =	ssyncadd.s32 s4;
	_ =	sdelay $0x1  }
0xa1: {  	s23 =	simm.s32 $0x1B8B  }
0xa2: {  	_ =	swait.ge [sflag:s23], $0x1  }
0xa3: {  	[sflag:s23] =	ssyncset.done $0x0  }
0xa4: {  	s25 =	simm.s32 $0x1B8E;
	s24 =	sld [smem:$0x3FFE];
	[sflag:s23] =	ssyncadd.s32 $0xFFFFFFFF  }
0xa5: {  	s26 =	simm.s32 $execute0_lowered;
	[smem:$0x3FD2] =	sst s25  }
0xa6: {  	s5 =	sshll.u32 s26, $0x1;
	_ =	strace $0x80000046;
	[dreg:$0x1] =	wrdreg $0xFFFFFFFF  }
0xa7: {  	s28 =	simm.s32 $_size_execute0_lowered;
	s3 =	sadd.s32 s3, s5;
	[dreg:$0x0] =	wrdreg $0x0  }
0xa8: {  	s5 =	sshll.u32 s28, $0x1;
	[dreg:$0x2] =	wrdreg s3  }
0xa9: {  	[dreg:$0x3] =	wrdreg s5  }
0xaa: {  	[dreg:$0x4] =	wrdreg $0xC0  }
0xab: {  	_ =	task [dreg:s7], $0x5FFFF  }
0xac: {  	[dreg:$0x1] =	wrdreg $0xFFFFFFFF  }
0xad: {  	[dreg:$0x0] =	wrdreg $0x60  }
0xae: {  	[dreg:$0x2] =	wrdreg s2  }
0xaf: {  	[dreg:$0x3] =	wrdreg s24  }
0xb0: {  	[dreg:$0x4] =	wrdreg $0x0  }
0xb1: {  	[dreg:$0x5] =	wrdreg $0x9  }
0xb2: {  	_ =	task.clear_ibuf [dreg:s7], $0x6FFFF;
	_ =	strace $0x90000046  }
0xb3: {  	s29 =	simm.s32 $0x9;
	_ =	strace $0x80000048  }
0xb4: {  	_ =	swait.ge [sflag:s29], $0x1  }
0xb5: {  	[sflag:s29] =	ssyncadd.s32 $0xFFFFFFFF  }
0xb6: {  	_ =	strace $0x90000048  }
0xb7: {  	_ =	sfence  }
0xb8: {  	s30 =	sld [smem:$0x0];
	_ =	sdelay $0x2  }
0xb9: {  	s31 =	sshll.u32 s1, $0xD;
	s1 =	sshrl.u32 s1, $0x2  }
0xba: {  	s3 =	sand.u32 $0x4000, s31;
	s1 =	sadd.s32 s1, s30  }
0xbb: {  	s0 =	sor.u32 s3, s0;
	s1 =	sshll.u32 s1, $0x11  }
0xbc: {  	s0 =	sor.u32 s1, s0  }
0xbd: {  	s0 =	sadd.s32 $0x8F2B, s0  }
0xbe: {  	[sflag:s0] =	ssyncadd.remote.s32 $0x1  }
0xbf: {  	_ =	sfence.sel $0xFFFF  }
0xc0: {  	[dreg:$0x0] =	wrdreg $0xFFFFFFFF;
	(pc) =	sbr.abs _section_cstart, $3  }
0xc1: {  	[dreg:$0x1] =	wrdreg $0xFFFFFFFF  }
0xc2: {  	_ =	task.clear_ibuf [dreg:s7], $0x2FFFF;
	_ =	strace $0x9FFFFFFF  }
0xc3: {  	(tm) =	ssettm $0x7FFFFFFF  }
tec
execute0_lowered:
.L_overlay_start_1:
0x0: {  	(tag) =	ssettag $0x1  }
0x1: {  	s26 =	stileid.u32  }
0x2: {  	s23 =	smul.u32 $0x4E20, s26  }
0x3: {  	s1 =	srdreg.scid;
	s8 =	smul.u32 $0xA000, s26  }
0x4: {  	s6 =	sand.u32 $0x1, s1;
	s13 =	smul.u32 $0x50, s26  }
0x5: {  	s9 =	sor.u32 $0x10, s26;
	s7 =	smul.u32 $0x2710, s6  }
0x6: {  	s0 =	rddreg [dreg:$0x0];
	s11 =	sor.u32 $0x20, s26;
	s10 =	smul.u32 $0xA000, s9  }
0x7: {  	s2 =	rddreg [dreg:$0x1];
	s12 =	smul.u32 $0xA000, s11  }
0x8: {  	s3 =	rddreg [dreg:$0x2];
	s9 =	smul.u32 $0x50, s9  }
0x9: {  	s4 =	simm.s32 $0x0;
	s14 =	sor.u32 $0x30, s26;
	s11 =	smul.u32 $0x50, s11  }
0xa: {  	s28 =	simm.s32 $0x13880;
	s16 =	sor.u32 $0x40, s26;
	s17 =	smul.u32 $0x50, s14  }
0xb: {  	s29 =	simm.s32 $0x13900;
	s24 =	sor.u32 $0x50, s26;
	s18 =	smul.u32 $0x50, s16  }
0xc: {  	s30 =	simm.s32 $0x50;
	s19 =	sor.u32 $0x60, s26;
	s20 =	smul.u32 $0x50, s24  }
0xd: {  	s31 =	simm.s32 $0x13980;
	[smem:$0x7FF] =	sst s4;
	s21 =	smul.u32 $0x50, s19  }
0xe: {  	s5 =	sadd.s32 $0x14E00, s2;
	s25 =	sshll.u32 s26, $0x6;
	s14 =	smul.u32 $0xA000, s14  }
0xf: {  	p0 =	sgt.u32 s26, $0xC;
	s6 =	ssub.s32 $0x2, s6;
	s16 =	smul.u32 $0xA000, s16  }
0x10: {  	_ =	strace $0x80000047;
	s19 =	smul.u32 $0xA000, s19;
	s15 =	sshrl.u32 s6, $0x1  }
0x11: {  	s8 =	sshrl.u32 s8, $0x2;
	s1 =	sadd.s32 s7, s23;
	s6 =	ssub.s32 s6, s15  }
0x12: {  	s8 =	sadd.s32 s8, s3;
	s13 =	sadd.s32 s13, s7;
	s9 =	sadd.s32 s7, s9  }
0x13: {  	s11 =	sadd.s32 s7, s11;
	s17 =	sadd.s32 s7, s17;
	s23 =	sadd.s32 s7, s18  }
0x14: {  	s20 =	sadd.s32 s7, s20;
	s21 =	sadd.s32 s7, s21;
	s10 =	sshrl.u32 s10, $0x2  }
0x15: {  	s12 =	sshrl.u32 s12, $0x2;
	s14 =	sshrl.u32 s14, $0x2;
	s15 =	smul.u32 $0xA000, s24  }
0x16: {  	s1 =	sshrl.u32 s1, $0x3;
	[dreg:$0x4] =	wrdreg s8;
	s8 =	sor.u32 $0x70, s26  }
0x17: {  	s10 =	sadd.s32 s10, s3;
	s12 =	sadd.s32 s12, s3;
	s18 =	sadd.s32 s14, s3  }
0x18: {  	s13 =	sshll.u32 s13, $0x4;
	s17 =	sshll.u32 s17, $0x4;
	[dreg:$0x5] =	wrdreg s10  }
0x19: {  	s26 =	simm.s32 $0x2;
	s1 =	sadd.s32 s1, s2;
	[dreg:$0x6] =	wrdreg s12  }
0x1a: {  	s2 =	sadd.s32 $0x15400, s2;
	s22 =	smul.u32 $0x50, s8;
	[dreg:$0x7] =	wrdreg s18  }
0x1b: {  	s10 =	sshrl.u32 s16, $0x2;
	s24 =	sshrl.u32 s15, $0x2;
	s8 =	smul.u32 $0xA000, s8  }
0x1c: {  	s12 =	sshrl.u32 s19, $0x2;
	s15 =	sshll.u32 s9, $0x4;
	s16 =	sshll.u32 s11, $0x4  }
0x1d: {  	s19 =	sshll.u32 s23, $0x4;
	s23 =	sshll.u32 s20, $0x4;
	s10 =	sadd.s32 s10, s3  }
0x1e: {  	s14 =	sadd.s32 s2, s13;
	s18 =	sadd.s32 s2, s17;
	[dreg:$0x8] =	wrdreg s10  }
0x1f: {  	s20 =	sadd.s32 s2, s23;
	s22 =	sadd.s32 s7, s22;
	[dreg:$0xc] =	wrdreg s14  }
0x20: {  	s7 =	sor.u32 $0x1C02, s25;
	s25 =	sadd.s32 s24, s3;
	[dreg:$0xf] =	wrdreg s18  }
0x21: {  	s23 =	smax.u32 s6, $0x1;
	s10 =	sadd.s32 s12, s3;
	[dreg:$0x9] =	wrdreg s25  }
0x22: {  	s8 =	sshrl.u32 s8, $0x2;
	s24 =	sshll.u32 s21, $0x4;
	[dreg:$0xa] =	wrdreg s10  }
0x23: {  	s8 =	sadd.s32 s8, s3;
	s21 =	sadd.s32 s2, s24;
	s25 =	sshll.u32 s22, $0x4  }
0x24: {  	s24 =	sadd.s32 $0x1200, s1;
	[dreg:$0xb] =	wrdreg s8;
	s8 =	sadd.s32 s2, s15  }
0x25: {  	s22 =	sadd.s32 s2, s25;
	[dreg:$0xd] =	wrdreg s8;
	s8 =	sadd.s32 s2, s16  }
0x26: {  	s25 =	sadd.s32 $0xB000, s1;
	[dreg:$0xe] =	wrdreg s8;
	s8 =	sadd.s32 s2, s19  }
0x27: {  	s1 =	simm.s32 $0x1;
	s2 =	simm.s32 $0x0;
	[dreg:$0x10] =	wrdreg s8  }
.LBB2_1:
0x28: {  	s6 =	rddreg [dreg:$0x4]  }
0x29: {  	s6 =	sshrl.u32 s6, $0x3  }
0x2a: {  	[spmem:s6], [sflag:s7] =	dma.local [hbm:s5], $0x500  }
0x2b: {  	_ =	swait.ge [sflag:s26], $0x500  }
0x2c: {  	[sflag:s26] =	ssyncset.done $0x0;
	s8 =	rddreg [dreg:$0x5]  }
0x2d: {  	[sflag:s26] =	ssyncadd.s32 $0xFFFFFB00;
	s8 =	sshrl.u32 s8, $0x3  }
0x2e: {  	[spmem:s8], [sflag:s7] =	dma.local [hbm:s5], $0x500  }
0x2f: {  	_ =	swait.ge [sflag:s26], $0x500  }
0x30: {  	[sflag:s26] =	ssyncset.done $0x0;
	s9 =	rddreg [dreg:$0x6]  }
0x31: {  	[sflag:s26] =	ssyncadd.s32 $0xFFFFFB00;
	s9 =	sshrl.u32 s9, $0x3  }
0x32: {  	[spmem:s9], [sflag:s7] =	dma.local [hbm:s5], $0x500  }
0x33: {  	_ =	swait.ge [sflag:s26], $0x500  }
0x34: {  	[sflag:s26] =	ssyncset.done $0x0;
	s10 =	rddreg [dreg:$0x7]  }
0x35: {  	[sflag:s26] =	ssyncadd.s32 $0xFFFFFB00;
	s10 =	sshrl.u32 s10, $0x3  }
0x36: {  	[spmem:s10], [sflag:s7] =	dma.local [hbm:s5], $0x500  }
0x37: {  	_ =	swait.ge [sflag:s26], $0x500  }
0x38: {  	[sflag:s26] =	ssyncset.done $0x0;
	s11 =	rddreg [dreg:$0x8]  }
0x39: {  	[sflag:s26] =	ssyncadd.s32 $0xFFFFFB00;
	s11 =	sshrl.u32 s11, $0x3  }
0x3a: {  	[spmem:s11], [sflag:s7] =	dma.local [hbm:s5], $0x500  }
0x3b: {  	_ =	swait.ge [sflag:s26], $0x500  }
0x3c: {  	[sflag:s26] =	ssyncset.done $0x0;
	s12 =	rddreg [dreg:$0x9]  }
0x3d: {  	[sflag:s26] =	ssyncadd.s32 $0xFFFFFB00;
	s12 =	sshrl.u32 s12, $0x3  }
0x3e: {  	[spmem:s12], [sflag:s7] =	dma.local [hbm:s5], $0x500  }
0x3f: {  	_ =	swait.ge [sflag:s26], $0x500  }
0x40: {  	[sflag:s26] =	ssyncset.done $0x0;
	s13 =	rddreg [dreg:$0xa]  }
0x41: {  	[sflag:s26] =	ssyncadd.s32 $0xFFFFFB00;
	s13 =	sshrl.u32 s13, $0x3  }
0x42: {  	[spmem:s13], [sflag:s7] =	dma.local [hbm:s5], $0x500  }
0x43: {  	_ =	swait.ge [sflag:s26], $0x500  }
0x44: {  	[sflag:s26] =	ssyncset.done $0x0;
	s14 =	rddreg [dreg:$0xb]  }
0x45: {  	s15 =	simm.s32 @!p0 $0x2;
	[sflag:s26] =	ssyncadd.s32 $0xFFFFFB00;
	s14 =	sshrl.u32 @!p0 s14, $0x3  }
0x46: {  	[spmem:s14], [sflag:s7] =	dma.local @!p0 [hbm:s5], $0x500  }
0x47: {  	_ =	swait.ge @!p0 [sflag:s15], $0x500  }
0x48: {  	[sflag:s15] =	ssyncset.done @!p0 $0x0  }
0x49: {  	[sflag:s15] =	ssyncadd.s32 @!p0 $0xFFFFFB00  }
0x4a: {  	s18 =	sadd.s32 $0x0, s25;
	[bflag:$0x0] =	sbarrier.arrive $0xFFFF  }
0x4b: {  	[tilespmem:s28], [sflag:$0x2] =	stream.linear.gather [hbm4b:s18+s4], $0x50, $0x38;
	[tilespmem:$0x16180] =	vst v63  }
0x4c: {  	_ =	swait.ge [sflag:s26], $0x50  }
0x4d: {  	[sflag:s26] =	ssyncset.done $0x0  }
0x4e: {  	s19 =	sadd.s32 $0x0, s24;
	[sflag:s26] =	ssyncadd.s32 $0xFFFFFFB0  }
0x4f: {  	[tilespmem:s29], [sflag:$0x2] =	stream.linear.gather [hbm4b:s19+s4], $0x50, $0x38;
	[tilespmem:$0x16180] =	vst v63  }
0x50: {  	_ =	swait.ge [sflag:s26], $0x50  }
0x51: {  	[sflag:s26] =	ssyncset.done $0x0  }
0x52: {  	[sflag:s26] =	ssyncadd.s32 $0xFFFFFFB0  }
0x53: {  	[tilespmem:s31], [sflag:$0x1] =	stream.indirect.gather [hbm4b:s0+s30], $0x80, s28, s30, $0xb8;
	[tilespmem:$0x16180] =	vst v63  }
0x54: {  	_ =	swait.ge [sflag:s1], $0x2800  }
0x55: {  	[sflag:s1] =	ssyncset.done $0x0  }
0x56: {  	[sflag:s1] =	ssyncadd.s32 $0xFFFFD800  }
0x57: {  	[spmem:s3] =	stream.indirect.scatter.add.f32 [tilespmem:s31], [sflag:$0x2], $0x80, s29, s30, $0xb8;
	[tilespmem:$0x16180] =	vst v63  }
0x58: {  	_ =	swait.ge [sflag:s26], $0x2800  }
0x59: {  	s16 =	simm.s32 $0x14;
	s15 =	simm.s32 $0xA;
	[sflag:s26] =	ssyncset.done $0x0  }
.LBB2_2:
0x5a: {  	s17 =	sadd.s32 s15, s25  }
0x5b: {  	[sflag:s26] =	ssyncadd.s32 $0xFFFFD800;
	s18 =	smov.u32 s16;
	s19 =	sadd.s32 $0xA, s16  }
0x5c: {  	[tilespmem:s28], [sflag:$0x2] =	stream.linear.gather [hbm4b:s17+s4], $0x50, $0x38;
	[tilespmem:$0x16180] =	vst v63  }
0x5d: {  	p1 =	sne.s32 s16, $0x4D8;
	_ =	swait.ge [sflag:s26], $0x50  }
0x5e: {  	[sflag:s26] =	ssyncset.done $0x0  }
0x5f: {  	s16 =	sadd.s32 s15, s24;
	s15 =	smov.u32 s18;
	[sflag:s26] =	ssyncadd.s32 $0xFFFFFFB0  }
0x60: {  	[tilespmem:s29], [sflag:$0x2] =	stream.linear.gather [hbm4b:s16+s4], $0x50, $0x38;
	[tilespmem:$0x16180] =	vst v63  }
0x61: {  	_ =	swait.ge [sflag:s26], $0x50  }
0x62: {  	[sflag:s26] =	ssyncset.done $0x0  }
0x63: {  	[sflag:s26] =	ssyncadd.s32 $0xFFFFFFB0  }
0x64: {  	[tilespmem:s31], [sflag:$0x1] =	stream.indirect.gather [hbm4b:s0+s30], $0x80, s28, s30, $0xb8;
	[tilespmem:$0x16180] =	vst v63  }
0x65: {  	_ =	swait.ge [sflag:s1], $0x2800  }
.Ltmp0:
0x66: {  	[sflag:s1] =	ssyncset.done $0x0;
	(pc) =	sbr.rel @p1 .LBB2_2-.Ltmp0, $4  }
0x67: {  	[sflag:s1] =	ssyncadd.s32 $0xFFFFD800  }
0x68: {  	[spmem:s3] =	stream.indirect.scatter.add.f32 [tilespmem:s31], [sflag:$0x2], $0x80, s29, s30, $0xb8;
	[tilespmem:$0x16180] =	vst v63  }
0x69: {  	_ =	swait.ge [sflag:s26], $0x2800  }
0x6a: {  	s16 =	smov.u32 s19;
	[sflag:s26] =	ssyncset.done $0x0  }
0x6b: {  	s16 =	sadd.s32 s15, s25;
	[sflag:s26] =	ssyncadd.s32 $0xFFFFD800  }
0x6c: {  	[tilespmem:s28], [sflag:$0x2] =	stream.linear.gather [hbm4b:s16+s4], $0x50, $0x38;
	[tilespmem:$0x16180] =	vst v63  }
0x6d: {  	_ =	swait.ge [sflag:s26], $0x50  }
0x6e: {  	[sflag:s26] =	ssyncset.done $0x0  }
0x6f: {  	s18 =	sadd.s32 s15, s24;
	[sflag:s26] =	ssyncadd.s32 $0xFFFFFFB0  }
0x70: {  	[tilespmem:s29], [sflag:$0x2] =	stream.linear.gather [hbm4b:s18+s4], $0x50, $0x38;
	[tilespmem:$0x16180] =	vst v63  }
0x71: {  	_ =	swait.ge [sflag:s26], $0x50  }
0x72: {  	[sflag:s26] =	ssyncset.done $0x0  }
0x73: {  	[sflag:s26] =	ssyncadd.s32 $0xFFFFFFB0  }
0x74: {  	[tilespmem:s31], [sflag:$0x1] =	stream.indirect.gather [hbm4b:s0+s30], $0x80, s28, s30, $0xb8;
	[tilespmem:$0x16180] =	vst v63  }
0x75: {  	_ =	swait.ge [sflag:s1], $0x2800  }
0x76: {  	[sflag:s1] =	ssyncset.done $0x0  }
0x77: {  	[sflag:s1] =	ssyncadd.s32 $0xFFFFD800  }
0x78: {  	[spmem:s3] =	stream.indirect.scatter.add.f32 [tilespmem:s31], [sflag:$0x2], $0x80, s29, s30, $0xb8;
	[tilespmem:$0x16180] =	vst v63  }
0x79: {  	_ =	swait.ge [sflag:s26], $0x2800  }
0x7a: {  	[sflag:s26] =	ssyncset.done $0x0  }
0x7b: {  	[sflag:s26] =	ssyncadd.s32 $0xFFFFD800  }
0x7c: {  	[bflag:$0x0] =	sbarrier.arrive $0xFFFF  }
0x7d: {  	s19 =	rddreg [dreg:$0xc]  }
0x7e: {  	[hbm:s19], [sflag:s7] =	dma.local [spmem:s6], $0x500  }
0x7f: {  	_ =	swait.ge [sflag:s26], $0x500  }
0x80: {  	[sflag:s26] =	ssyncset.done $0x0  }
0x81: {  	s16 =	rddreg [dreg:$0xd];
	[sflag:s26] =	ssyncadd.s32 $0xFFFFFB00  }
0x82: {  	[hbm:s16], [sflag:s7] =	dma.local [spmem:s8], $0x500  }
0x83: {  	_ =	swait.ge [sflag:s26], $0x500  }
0x84: {  	[sflag:s26] =	ssyncset.done $0x0  }
0x85: {  	s17 =	rddreg [dreg:$0xe];
	[sflag:s26] =	ssyncadd.s32 $0xFFFFFB00  }
0x86: {  	[hbm:s17], [sflag:s7] =	dma.local [spmem:s9], $0x500  }
0x87: {  	_ =	swait.ge [sflag:s26], $0x500  }
0x88: {  	[sflag:s26] =	ssyncset.done $0x0  }
0x89: {  	s18 =	rddreg [dreg:$0xf];
	[sflag:s26] =	ssyncadd.s32 $0xFFFFFB00  }
0x8a: {  	[hbm:s18], [sflag:s7] =	dma.local [spmem:s10], $0x500  }
0x8b: {  	_ =	swait.ge [sflag:s26], $0x500  }
0x8c: {  	[sflag:s26] =	ssyncset.done $0x0  }
0x8d: {  	s19 =	rddreg [dreg:$0x10];
	[sflag:s26] =	ssyncadd.s32 $0xFFFFFB00  }
0x8e: {  	[hbm:s19], [sflag:s7] =	dma.local [spmem:s11], $0x500  }
0x8f: {  	_ =	swait.ge [sflag:s26], $0x500  }
0x90: {  	[sflag:s26] =	ssyncset.done $0x0  }
0x91: {  	[sflag:s26] =	ssyncadd.s32 $0xFFFFFB00  }
0x92: {  	[hbm:s20], [sflag:s7] =	dma.local [spmem:s12], $0x500  }
0x93: {  	_ =	swait.ge [sflag:s26], $0x500  }
0x94: {  	[sflag:s26] =	ssyncset.done $0x0  }
0x95: {  	[sflag:s26] =	ssyncadd.s32 $0xFFFFFB00  }
0x96: {  	[hbm:s21], [sflag:s7] =	dma.local [spmem:s13], $0x500  }
0x97: {  	s2 =	sadd.s32 $0x1, s2;
	_ =	swait.ge [sflag:s26], $0x500  }
0x98: {  	p1 =	sne.s32 s2, s23;
	[sflag:s26] =	ssyncset.done $0x0  }
.Ltmp1:
0x99: {  	s6 =	simm.s32 @!p0 $0x2;
	[sflag:s26] =	ssyncadd.s32 $0xFFFFFB00;
	(pc) =	sbr.rel @p1 .LBB2_1-.Ltmp1, $4  }
0x9a: {  	[hbm:s22], [sflag:s7] =	dma.local @!p0 [spmem:s14], $0x500  }
0x9b: {  	_ =	swait.ge @!p0 [sflag:s6], $0x500  }
0x9c: {  	[sflag:s6] =	ssyncset.done @!p0 $0x0  }
0x9d: {  	[sflag:s6] =	ssyncadd.s32 @!p0 $0xFFFFFB00  }
0x9e: {  	_ =	sfence.sel $0x180000  }
0x9f: {  	[bflag:$0x0] =	sbarrier.arrive $0xFFFF  }
0xa0: {  	_ =	strace $0x90000047  }
0xa1: {  	s0 =	stileid.u32;
	[bflag:$0x2] =	sbarrier.arrive $0xFFFF  }
0xa2: {  	p0 =	sne.s32 s0, $0x0;
	s0 =	rddreg [dreg:$0x3]  }
0xa3: {  	s0 =	sadd.s32 @!p0 $0x100000, s0  }
0xa4: {  	[sflag:s0] =	ssyncadd.tile.s32 @!p0 $0x1;
	_ =	shalt  }
.Lfunc_end2:
_tile_overlayer_lowered:
.L_overlay_start_2:
0xa5: {  	(tag) =	ssettag $0x2  }
0xa6: {  	s0 =	rddreg [dreg:$0x0];
	s2 =	stileid.u32  }
0xa7: {  	s1 =	rddreg [dreg:$0x1];
	p0 =	sne.s32 s2, $0x0  }
0xa8: {  	s3 =	rddreg [dreg:$0x2];
	[bflag:$0x3] =	sbarrier.arrive $0xFFFF;
	s2 =	simm.s32 @!p0 $0x1C02  }
0xa9: {  	[timem:s3], [sflag:s2] =	dma.local @!p0 [hbm:s0], s1  }
0xaa: {  	s0 =	simm.s32 @!p0 $0x2  }
0xab: {  	_ =	swait.ge @!p0 [sflag:s0], s1  }
0xac: {  	s1 =	ssub.s32 @!p0 $0x0, s1;
	[sflag:s0] =	ssyncset.done @!p0 $0x0  }
0xad: {  	[sflag:s0] =	ssyncadd.s32 @!p0 s1  }
0xae: {  	[bflag:$0x3] =	sbarrier.arrive $0xFFFF  }
0xaf: {  	_ =	shalt  }

</sc_bundles>
